<compile_context>
chip_gen: v7x
topology: tpu7x:2x2x1
jax: 0.10.2.dev20260603
libtpu: 0.0.44.dev20260713+nightly
codegen_flags: <defaults>
</compile_context>

<pallas_src>
import functools

import jax
import jax.numpy as jnp
from jax import lax
from jax.experimental import pallas as pl
from jax.experimental.pallas import tpu as pltpu
from jax.experimental.pallas import tpu_sc as plsc

F32 = jnp.float32

_N = 10000
_E = 320000
_D = 128
_HEADS = 16
_HEAD_DIM = 8
_NW = 32
_EPW = _E // _NW
_CH = 80
_NCHUNK = _EPW // _CH
_NA = 10240
_RPS = _NA // 16
_RCH = 128
_BN = 400
_BE = 512


def _node_body(h_ref, w1d_ref, w1s_ref, w1q_ref, b1q_ref, gq_ref, beq_ref,
               w2q_ref, b2q_ref, td_ref, ts_ref):
    hb = h_ref[...]
    ad = jnp.dot(hb, w1d_ref[...], preferred_element_type=F32)
    ts_ref[...] = jnp.dot(hb, w1s_ref[...], preferred_element_type=F32)
    hq = jnp.dot(hb, w1q_ref[...], preferred_element_type=F32) + b1q_ref[...]
    mu = jnp.mean(hq, axis=-1, keepdims=True)
    var = jnp.mean((hq - mu) ** 2, axis=-1, keepdims=True)
    hqn = (hq - mu) * lax.rsqrt(var + 1e-5) * gq_ref[...] + beq_ref[...]
    q = jnp.dot(jnp.maximum(hqn, 0.0), w2q_ref[...],
                preferred_element_type=F32) + b2q_ref[...]
    td_ref[...] = jnp.concatenate([ad, q], axis=1)


def _node_pass(h, w1d, w1s, w1q, b1q, gq, beq, w2q, b2q):
    nb = _N // _BN
    full = lambda shape: pl.BlockSpec(shape, lambda i: (0, 0))
    return pl.pallas_call(
        _node_body,
        grid=(nb,),
        in_specs=[
            pl.BlockSpec((_BN, _D), lambda i: (i, 0)),
            full((_D, 256)), full((_D, 256)), full((_D, _D)),
            full((1, _D)), full((1, _D)), full((1, _D)),
            full((_D, _D)), full((1, _D)),
        ],
        out_specs=[
            pl.BlockSpec((_BN, 384), lambda i: (i, 0)),
            pl.BlockSpec((_BN, 256), lambda i: (i, 0)),
        ],
        out_shape=[
            jax.ShapeDtypeStruct((_N, 384), F32),
            jax.ShapeDtypeStruct((_N, 256), F32),
        ],
    )(h, w1d, w1s, w1q, b1q, gq, beq, w2q, b2q)


def _sc_gather(td, ts, dst, src):
    mesh = plsc.VectorSubcoreMesh(core_axis_name="c", subcore_axis_name="s")

    @functools.partial(
        pl.kernel, mesh=mesh,
        out_type=(jax.ShapeDtypeStruct((_E, 256), F32),
                  jax.ShapeDtypeStruct((_E, 128), F32)),
        scratch_types=[
            pltpu.VMEM((_CH,), jnp.int32),
            pltpu.VMEM((_CH,), jnp.int32),
            pltpu.VMEM((_CH, 256), F32),
            pltpu.VMEM((_CH, 128), F32),
            pltpu.SemaphoreType.DMA,
            pltpu.SemaphoreType.DMA,
        ],
    )
    def gather_k(td_hbm, ts_hbm, dst_hbm, src_hbm, gd_hbm, gs_hbm,
                 idxd, idxs, gd_v, gs_v, sem1, sem2):
        wid = lax.axis_index("s") * 2 + lax.axis_index("c")
        base0 = wid * _EPW

        def body(i, carry):
            base = base0 + i * _CH
            pltpu.sync_copy(dst_hbm.at[pl.ds(base, _CH)], idxd)
            pltpu.sync_copy(src_hbm.at[pl.ds(base, _CH)], idxs)
            cp1 = pltpu.async_copy(td_hbm.at[idxd], gd_v, sem1)
            cp2 = pltpu.async_copy(ts_hbm.at[idxs], gs_v, sem2)
            cp1.wait()
            cp2.wait()
            pltpu.sync_copy(gd_v, gd_hbm.at[pl.ds(base, _CH)])
            pltpu.sync_copy(gs_v, gs_hbm.at[pl.ds(base, _CH)])
            return carry

        lax.fori_loop(0, _NCHUNK, body, 0)

    return gather_k(td, ts, dst, src)


def _unpack_bf16_pair(packed):
    u = lax.bitcast_convert_type(packed, jnp.uint32)
    lo = lax.bitcast_convert_type(u << 16, F32)
    hi = lax.bitcast_convert_type(u & jnp.uint32(0xFFFF0000), F32)
    return jnp.concatenate([lo, hi], axis=1)


def _edge_body(gd_ref, gs_ref, rf_ref, ef_ref, rx_ref,
               w1ef_ref, w1rf_ref, b1_ref, g_ref, be_ref,
               w2k_ref, b2k_ref, w2v_ref, b2v_ref, eww_ref, ewb_ref, ssel_ref,
               vsr_ref, lmax_ref):
    gd = gd_ref[...]
    ad_av = _unpack_bf16_pair(gd[:, :128])
    gs = _unpack_bf16_pair(gs_ref[...])
    rf = rf_ref[...]
    pre = (ad_av + gs
           + jnp.dot(ef_ref[...], w1ef_ref[...], preferred_element_type=F32)
           + jnp.dot(rf, w1rf_ref[...], preferred_element_type=F32)
           + b1_ref[...])

    def ln_relu(x, g, be):
        mu = jnp.mean(x, axis=-1, keepdims=True)
        var = jnp.mean((x - mu) ** 2, axis=-1, keepdims=True)
        return jnp.maximum((x - mu) * lax.rsqrt(var + 1e-5) * g + be, 0.0)

    rk = ln_relu(pre[:, :_D], g_ref[...][:, :_D], be_ref[...][:, :_D])
    rv = ln_relu(pre[:, _D:], g_ref[...][:, _D:], be_ref[...][:, _D:])
    kvec = jnp.dot(rk, w2k_ref[...], preferred_element_type=F32) + b2k_ref[...]
    v16 = jnp.dot(rv, w2v_ref[...], preferred_element_type=F32) + b2v_ref[...]
    ew = jax.nn.sigmoid(jnp.dot(rf, eww_ref[...], preferred_element_type=F32)
                        + ewb_ref[...])
    vs = v16 * ew
    prod = gd[:, 128:256] * kvec * (1.0 / jnp.sqrt(jnp.float32(_HEAD_DIM)))
    logits = jnp.dot(prod, ssel_ref[...], preferred_element_type=F32)
    rx = rx_ref[...]
    vsr_ref[...] = jnp.concatenate(
        [logits, vs * rx[:, 0:1], vs * rx[:, 1:2], vs * rx[:, 2:3],
         jnp.zeros((_BE, 64), F32)], axis=1)
    bm = jnp.max(logits, axis=0, keepdims=True)

    @pl.when(pl.program_id(0) == 0)
    def _():
        lmax_ref[...] = bm

    @pl.when(pl.program_id(0) != 0)
    def _():
        lmax_ref[...] = jnp.maximum(lmax_ref[...], bm)


def _edge_pass(gd, gs, rf, ef, rx, w1ef, w1rf, b1, g, be,
               w2k, b2k, w2v, b2v, eww, ewb, ssel):
    nb = _E // _BE
    full = lambda shape: pl.BlockSpec(shape, lambda i: (0, 0))
    return pl.pallas_call(
        _edge_body,
        grid=(nb,),
        in_specs=[
            pl.BlockSpec((_BE, 256), lambda i: (i, 0)),
            pl.BlockSpec((_BE, 128), lambda i: (i, 0)),
            pl.BlockSpec((_BE, 16), lambda i: (i, 0)),
            pl.BlockSpec((_BE, 4), lambda i: (i, 0)),
            pl.BlockSpec((_BE, 3), lambda i: (i, 0)),
            full((4, 256)), full((16, 256)), full((1, 256)),
            full((1, 256)), full((1, 256)),
            full((_D, _D)), full((1, _D)), full((_D, 16)), full((1, 16)),
            full((16, 1)), full((1, 1)), full((_D, 16)),
        ],
        out_specs=[
            pl.BlockSpec((_BE, 128), lambda i: (i, 0)),
            pl.BlockSpec((1, 16), lambda i: (0, 0)),
        ],
        out_shape=[
            jax.ShapeDtypeStruct((_E, 128), F32),
            jax.ShapeDtypeStruct((1, 16), F32),
        ],
    )(gd, gs, rf, ef, rx, w1ef, w1rf, b1, g, be,
      w2k, b2k, w2v, b2v, eww, ewb, ssel)


def _sc_scatter(vsr, dst, lmax):
    mesh = plsc.VectorSubcoreMesh(core_axis_name="c", subcore_axis_name="s")

    @functools.partial(
        pl.kernel, mesh=mesh,
        out_type=jax.ShapeDtypeStruct((2, _NA, 128), F32),
        scratch_types=[
            pltpu.VMEM_SHARED((_NA, 128), F32),
            pltpu.VMEM((_CH, 128), F32),
            pltpu.VMEM((_CH,), jnp.int32),
            pltpu.VMEM((_RCH, 128), F32),
            pltpu.VMEM((1, 16), F32),
        ],
    )
    def scatter_k(vsr_hbm, dst_hbm, lmax_hbm, out_hbm,
                  acc, vbuf, ibuf, zbuf, gbuf):
        c = lax.axis_index("c")
        s = lax.axis_index("s")
        wid = s * 2 + c

        def zb(j, carry):
            for t in range(8):
                zbuf[j, 16 * t:16 * (t + 1)] = jnp.zeros((16,), F32)
            return carry

        lax.fori_loop(0, _RCH, zb, 0)

        def zc(j, carry):
            pltpu.sync_copy(zbuf, acc.at[pl.ds(s * _RPS + j * _RCH, _RCH)])
            return carry

        lax.fori_loop(0, _RPS // _RCH, zc, 0)
        pltpu.sync_copy(lmax_hbm, gbuf)
        plsc.subcore_barrier()

        gvec = gbuf[0, :]
        base0 = wid * _EPW

        def body(i, carry):
            base = base0 + i * _CH
            pltpu.sync_copy(vsr_hbm.at[pl.ds(base, _CH)], vbuf)
            pltpu.sync_copy(dst_hbm.at[pl.ds(base, _CH)], ibuf)

            def ed(j, carry2):
                e = jnp.exp(vbuf[j, 0:16] - gvec)
                vbuf[j, 0:16] = e
                vbuf[j, 16:32] = e * vbuf[j, 16:32]
                vbuf[j, 32:48] = e * vbuf[j, 32:48]
                vbuf[j, 48:64] = e * vbuf[j, 48:64]
                return carry2

            lax.fori_loop(0, _CH, ed, 0)
            pltpu.sync_copy(vbuf, acc.at[ibuf], add=True)
            return carry

        lax.fori_loop(0, _NCHUNK, body, 0)
        plsc.subcore_barrier()

        def dr(j, carry):
            rs = s * _RPS + j * _RCH
            pltpu.sync_copy(acc.at[pl.ds(rs, _RCH)], zbuf)
            pltpu.sync_copy(zbuf, out_hbm.at[c, pl.ds(rs, _RCH)])
            return carry

        lax.fori_loop(0, _RPS // _RCH, dr, 0)

    return scatter_k(vsr, dst, lmax)


def _comb_body(p0_ref, p1_ref, ssum_ref, o_ref):
    a = (p0_ref[...] + p1_ref[...]).reshape(_BN, 128)
    den = a[:, 0:16] + 1e-16
    ratio = a[:, 16:64] / jnp.concatenate([den, den, den], axis=1)
    o_ref[...] = jnp.dot(ratio, ssum_ref[...],
                         preferred_element_type=F32) * (1.0 / _HEADS)


def _combine(partials, ssum):
    nb = _N // _BN
    return pl.pallas_call(
        _comb_body,
        grid=(nb,),
        in_specs=[
            pl.BlockSpec((1, _BN, 128), lambda i: (0, i, 0)),
            pl.BlockSpec((1, _BN, 128), lambda i: (1, i, 0)),
            pl.BlockSpec((48, 3), lambda i: (0, 0)),
        ],
        out_specs=pl.BlockSpec((_BN, 3), lambda i: (i, 0)),
        out_shape=jax.ShapeDtypeStruct((_N, 3), F32),
    )(partials, partials, ssum)


def kernel(h, rel_x, r_feat, edge_feat, edge_index,
           xk_W1, xk_b1, xk_g, xk_be, xk_W2, xk_b2,
           xv_W1, xv_b1, xv_g, xv_be, xv_W2, xv_b2,
           xq_W1, xq_b1, xq_g, xq_be, xq_W2, xq_b2,
           ew_W, ew_b):
    src = edge_index[0]
    dst = edge_index[1]

    w1d = jnp.concatenate([xk_W1[20:148], xv_W1[20:148]], axis=1)
    w1s = jnp.concatenate([xk_W1[148:276], xv_W1[148:276]], axis=1)
    w1ef = jnp.concatenate([xk_W1[0:4], xv_W1[0:4]], axis=1)
    w1rf = jnp.concatenate([xk_W1[4:20], xv_W1[4:20]], axis=1)
    b1 = jnp.concatenate([xk_b1, xv_b1])[None, :]
    g = jnp.concatenate([xk_g, xv_g])[None, :]
    be = jnp.concatenate([xk_be, xv_be])[None, :]
    lanes = jnp.arange(_D)
    ssel = (lanes[:, None] // _HEAD_DIM ==
            jnp.arange(_HEADS)[None, :]).astype(F32)
    lanes48 = jnp.arange(48)
    ssum = (lanes48[:, None] // _HEADS == jnp.arange(3)[None, :]).astype(F32)

    td, ts = _node_pass(h, w1d, w1s, xq_W1, xq_b1[None, :], xq_g[None, :],
                        xq_be[None, :], xq_W2, xq_b2[None, :])

    def pack_pairs(t):
        w = t.shape[1] // 2
        lo = lax.bitcast_convert_type(
            t[:, :w].astype(jnp.bfloat16), jnp.uint16).astype(jnp.uint32)
        hi = lax.bitcast_convert_type(
            t[:, w:].astype(jnp.bfloat16), jnp.uint16).astype(jnp.uint32)
        return lax.bitcast_convert_type((hi << 16) | lo, F32)

    tdp = jnp.concatenate([pack_pairs(td[:, :256]), td[:, 256:]], axis=1)
    tsp = pack_pairs(ts)
    gd, gs = _sc_gather(tdp, tsp, dst, src)
    vsr, lmax = _edge_pass(gd, gs, r_feat, edge_feat, rel_x,
                           w1ef, w1rf, b1, g, be,
                           xk_W2, xk_b2[None, :], xv_W2, xv_b2[None, :],
                           ew_W, ew_b[None, :], ssel)
    partials = _sc_scatter(vsr, dst, lmax)
    return _combine(partials, ssum)

# --- scband reference (transcript-rebuilt; emitter-appended) ---
"""Pipeline reference for scband-base-h2-xatt-layer-2259152797788 (READ-ONLY COPY).

The authoritative reference and input builder live on the scoring server;
editing this copy changes nothing except your own understanding.
"""

import jax, jax.numpy as jnp
import numpy as np

N = 10000
E = 320000
INPUT_DIM = 128
HIDDEN = 128
OUT = 128
HEADS = 16
HEAD_DIM = OUT // HEADS
EDGE_DIM = 4
RDIM = 16
KV_IN = INPUT_DIM * 2 + EDGE_DIM + RDIM


def _mlp(x, W1, b1, g, be, W2, b2):
    h = x @ W1 + b1
    mu = jnp.mean(h, axis=-1, keepdims=True)
    var = jnp.var(h, axis=-1, keepdims=True)
    h = (h - mu) / jnp.sqrt(var + 1e-5) * g + be
    h = jax.nn.relu(h)
    return h @ W2 + b2


def _scatter_softmax(logits, seg, num_segments):
    seg_max = jax.ops.segment_max(logits, seg, num_segments=num_segments)
    seg_max = jnp.where(jnp.isfinite(seg_max), seg_max, 0.0)
    seg_max = jax.lax.stop_gradient(seg_max)
    ex = jnp.exp(logits - seg_max[seg])
    denom = jax.ops.segment_sum(ex, seg, num_segments=num_segments)
    return ex / (denom[seg] + 1e-16)


def setup_inputs(seed: int = 0):
    key = jax.random.key(seed)
    ks = jax.random.split(key, 24)
    inp = {}
    inp["h"] = jax.random.normal(ks[0], (N, INPUT_DIM), jnp.float32)
    inp["rel_x"] = jax.random.normal(ks[1], (E, 3), jnp.float32)
    inp["r_feat"] = jax.random.normal(ks[2], (E, RDIM), jnp.float32)
    inp["edge_feat"] = jax.random.normal(ks[3], (E, EDGE_DIM), jnp.float32)
    inp["edge_index"] = jax.random.randint(ks[4], (2, E), 0, N, dtype=jnp.int32)
    def lin(k, fan_in, fan_out):
        return jax.random.normal(k, (fan_in, fan_out), jnp.float32) / np.sqrt(fan_in)
    inp["xk_W1"] = lin(ks[5], KV_IN, HIDDEN); inp["xk_b1"] = jnp.zeros((HIDDEN,), jnp.float32)
    inp["xk_g"] = jnp.ones((HIDDEN,), jnp.float32); inp["xk_be"] = jnp.zeros((HIDDEN,), jnp.float32)
    inp["xk_W2"] = lin(ks[6], HIDDEN, OUT); inp["xk_b2"] = jnp.zeros((OUT,), jnp.float32)
    inp["xv_W1"] = lin(ks[7], KV_IN, HIDDEN); inp["xv_b1"] = jnp.zeros((HIDDEN,), jnp.float32)
    inp["xv_g"] = jnp.ones((HIDDEN,), jnp.float32); inp["xv_be"] = jnp.zeros((HIDDEN,), jnp.float32)
    inp["xv_W2"] = lin(ks[8], HIDDEN, HEADS); inp["xv_b2"] = jnp.zeros((HEADS,), jnp.float32)
    inp["xq_W1"] = lin(ks[9], INPUT_DIM, HIDDEN); inp["xq_b1"] = jnp.zeros((HIDDEN,), jnp.float32)
    inp["xq_g"] = jnp.ones((HIDDEN,), jnp.float32); inp["xq_be"] = jnp.zeros((HIDDEN,), jnp.float32)
    inp["xq_W2"] = lin(ks[10], HIDDEN, OUT); inp["xq_b2"] = jnp.zeros((OUT,), jnp.float32)
    inp["ew_W"] = lin(ks[11], RDIM, 1); inp["ew_b"] = jnp.zeros((1,), jnp.float32)
    return inp


def reference(h, rel_x, r_feat, edge_feat, edge_index,
              xk_W1, xk_b1, xk_g, xk_be, xk_W2, xk_b2,
              xv_W1, xv_b1, xv_g, xv_be, xv_W2, xv_b2,
              xq_W1, xq_b1, xq_g, xq_be, xq_W2, xq_b2,
              ew_W, ew_b):
    src = edge_index[0]
    dst = edge_index[1]
    hi = h[dst]
    hj = h[src]
    kv_input = jnp.concatenate([r_feat, hi, hj], axis=-1)
    kv_input = jnp.concatenate([edge_feat, kv_input], axis=-1)
    k = _mlp(kv_input, xk_W1, xk_b1, xk_g, xk_be, xk_W2, xk_b2).reshape(-1, HEADS, HEAD_DIM)
    v = _mlp(kv_input, xv_W1, xv_b1, xv_g, xv_be, xv_W2, xv_b2)
    e_w = jax.nn.sigmoid(r_feat @ ew_W + ew_b)
    v = v * e_w
    v = v[..., None] * rel_x[:, None, :]
    q = _mlp(h, xq_W1, xq_b1, xq_g, xq_be, xq_W2, xq_b2).reshape(-1, HEADS, HEAD_DIM)
    logits = (q[dst] * k / np.sqrt(HEAD_DIM)).sum(-1)
    alpha = _scatter_softmax(logits, dst, N)
    m = alpha[..., None] * v
    output = jax.ops.segment_sum(m, dst, num_segments=N)
    return output.mean(1)

if __name__ == "__main__":
    import jax
    _d = setup_inputs()
    print(jax.jit(kernel)(*tuple(_d.values())))

</pallas_src>

<mosaic_0001>
#map = affine_map<(d0, d1) -> (0, 0)>
#map1 = affine_map<(d0, d1) -> (0)>
#map2 = affine_map<(d0, d1) -> (0, 0, 0)>
module attributes {stable_mosaic.version = 14 : i64} {
  func.func @scatter_k(%arg0: i32, %arg1: i32, %arg2: memref<320000x128xf32, #tpu.memory_space<hbm>>, %arg3: memref<320000xi32, #tpu.memory_space<hbm>>, %arg4: memref<1x16xf32, #tpu.memory_space<hbm>>, %arg5: memref<2x10240x128xf32, #tpu.memory_space<hbm>>, %arg6: memref<10240x128xf32, #tpu.memory_space<vmem_shared>>, %arg7: memref<80x128xf32, #tpu.memory_space<vmem>>, %arg8: memref<80xi32, #tpu.memory_space<vmem>>, %arg9: memref<128x128xf32, #tpu.memory_space<vmem>>, %arg10: memref<1x16xf32, #tpu.memory_space<vmem>>) attributes {dimension_semantics = [#tpu.dimension_semantics<core_parallel>, #tpu.dimension_semantics<subcore_parallel>], iteration_bounds = array<i64: 2, 16>, scalar_prefetch = 0 : i64, scratch_operands = 5 : i64, tpu.core_type = #tpu.core_type<sc_vector_subcore>, window_params = [{transform_indices = #map}, {transform_indices = #map1}, {transform_indices = #map}, {transform_indices = #map2}]} {
    %mul3A = arith.constant 2 : i32
    %mul3A_0 = arith.muli %arg1, %mul3A : i32
    %add3A = arith.addi %mul3A_0, %arg0 : i32
    %scan3A = arith.constant 0 : i32
    %scan3A_1 = arith.constant 0 : i32
    %scan3A_2 = arith.constant 128 : i32
    %scan3A_3 = arith.addi %scan3A_1, %scan3A_2 : i32
    %scan3A_4 = arith.constant 1 : i32
    scf.for %scan3A_31 = %scan3A_1 to %scan3A_3 step %scan3A_4  : i32 {
      %broadcast_in_dim3A = arith.constant 0.000000e+00 : f32
      %broadcast_in_dim3A_32 = vector.broadcast %broadcast_in_dim3A : f32 to vector<16xf32>
      %swap3A = arith.index_cast %scan3A_31 : i32 to index
      %swap3A_33 = arith.constant 0 : index
      %swap3A_34 = tpu.vector_load %arg9[%swap3A, %swap3A_33] {strides = array<i32>} : memref<128x128xf32, #tpu.memory_space<vmem>>, vector<1x16xf32>,
      %swap3A_35 = vector.shape_cast %swap3A_34 : vector<1x16xf32> to vector<16xf32>
      %swap3A_36 = vector.shape_cast %broadcast_in_dim3A_32 : vector<16xf32> to vector<1x16xf32>
      tpu.vector_store %arg9[%swap3A, %swap3A_33], %swap3A_36 {strides = array<i32>} : memref<128x128xf32, #tpu.memory_space<vmem>>, vector<1x16xf32>,
      %broadcast_in_dim3A_37 = arith.constant 0.000000e+00 : f32
      %broadcast_in_dim3A_38 = vector.broadcast %broadcast_in_dim3A_37 : f32 to vector<16xf32>
      %swap3A_39 = arith.index_cast %scan3A_31 : i32 to index
      %swap3A_40 = arith.constant 16 : index
      %swap3A_41 = tpu.vector_load %arg9[%swap3A_39, %swap3A_40] {strides = array<i32>} : memref<128x128xf32, #tpu.memory_space<vmem>>, vector<1x16xf32>,
      %swap3A_42 = vector.shape_cast %swap3A_41 : vector<1x16xf32> to vector<16xf32>
      %swap3A_43 = vector.shape_cast %broadcast_in_dim3A_38 : vector<16xf32> to vector<1x16xf32>
      tpu.vector_store %arg9[%swap3A_39, %swap3A_40], %swap3A_43 {strides = array<i32>} : memref<128x128xf32, #tpu.memory_space<vmem>>, vector<1x16xf32>,
      %broadcast_in_dim3A_44 = arith.constant 0.000000e+00 : f32
      %broadcast_in_dim3A_45 = vector.broadcast %broadcast_in_dim3A_44 : f32 to vector<16xf32>
      %swap3A_46 = arith.index_cast %scan3A_31 : i32 to index
      %swap3A_47 = arith.constant 32 : index
      %swap3A_48 = tpu.vector_load %arg9[%swap3A_46, %swap3A_47] {strides = array<i32>} : memref<128x128xf32, #tpu.memory_space<vmem>>, vector<1x16xf32>,
      %swap3A_49 = vector.shape_cast %swap3A_48 : vector<1x16xf32> to vector<16xf32>
      %swap3A_50 = vector.shape_cast %broadcast_in_dim3A_45 : vector<16xf32> to vector<1x16xf32>
      tpu.vector_store %arg9[%swap3A_46, %swap3A_47], %swap3A_50 {strides = array<i32>} : memref<128x128xf32, #tpu.memory_space<vmem>>, vector<1x16xf32>,
      %broadcast_in_dim3A_51 = arith.constant 0.000000e+00 : f32
      %broadcast_in_dim3A_52 = vector.broadcast %broadcast_in_dim3A_51 : f32 to vector<16xf32>
      %swap3A_53 = arith.index_cast %scan3A_31 : i32 to index
      %swap3A_54 = arith.constant 48 : index
      %swap3A_55 = tpu.vector_load %arg9[%swap3A_53, %swap3A_54] {strides = array<i32>} : memref<128x128xf32, #tpu.memory_space<vmem>>, vector<1x16xf32>,
      %swap3A_56 = vector.shape_cast %swap3A_55 : vector<1x16xf32> to vector<16xf32>
      %swap3A_57 = vector.shape_cast %broadcast_in_dim3A_52 : vector<16xf32> to vector<1x16xf32>
      tpu.vector_store %arg9[%swap3A_53, %swap3A_54], %swap3A_57 {strides = array<i32>} : memref<128x128xf32, #tpu.memory_space<vmem>>, vector<1x16xf32>,
      %broadcast_in_dim3A_58 = arith.constant 0.000000e+00 : f32
      %broadcast_in_dim3A_59 = vector.broadcast %broadcast_in_dim3A_58 : f32 to vector<16xf32>
      %swap3A_60 = arith.index_cast %scan3A_31 : i32 to index
      %swap3A_61 = arith.constant 64 : index
      %swap3A_62 = tpu.vector_load %arg9[%swap3A_60, %swap3A_61] {strides = array<i32>} : memref<128x128xf32, #tpu.memory_space<vmem>>, vector<1x16xf32>,
      %swap3A_63 = vector.shape_cast %swap3A_62 : vector<1x16xf32> to vector<16xf32>
      %swap3A_64 = vector.shape_cast %broadcast_in_dim3A_59 : vector<16xf32> to vector<1x16xf32>
      tpu.vector_store %arg9[%swap3A_60, %swap3A_61], %swap3A_64 {strides = array<i32>} : memref<128x128xf32, #tpu.memory_space<vmem>>, vector<1x16xf32>,
      %broadcast_in_dim3A_65 = arith.constant 0.000000e+00 : f32
      %broadcast_in_dim3A_66 = vector.broadcast %broadcast_in_dim3A_65 : f32 to vector<16xf32>
      %swap3A_67 = arith.index_cast %scan3A_31 : i32 to index
      %swap3A_68 = arith.constant 80 : index
      %swap3A_69 = tpu.vector_load %arg9[%swap3A_67, %swap3A_68] {strides = array<i32>} : memref<128x128xf32, #tpu.memory_space<vmem>>, vector<1x16xf32>,
      %swap3A_70 = vector.shape_cast %swap3A_69 : vector<1x16xf32> to vector<16xf32>
      %swap3A_71 = vector.shape_cast %broadcast_in_dim3A_66 : vector<16xf32> to vector<1x16xf32>
      tpu.vector_store %arg9[%swap3A_67, %swap3A_68], %swap3A_71 {strides = array<i32>} : memref<128x128xf32, #tpu.memory_space<vmem>>, vector<1x16xf32>,
      %broadcast_in_dim3A_72 = arith.constant 0.000000e+00 : f32
      %broadcast_in_dim3A_73 = vector.broadcast %broadcast_in_dim3A_72 : f32 to vector<16xf32>
      %swap3A_74 = arith.index_cast %scan3A_31 : i32 to index
      %swap3A_75 = arith.constant 96 : index
      %swap3A_76 = tpu.vector_load %arg9[%swap3A_74, %swap3A_75] {strides = array<i32>} : memref<128x128xf32, #tpu.memory_space<vmem>>, vector<1x16xf32>,
      %swap3A_77 = vector.shape_cast %swap3A_76 : vector<1x16xf32> to vector<16xf32>
      %swap3A_78 = vector.shape_cast %broadcast_in_dim3A_73 : vector<16xf32> to vector<1x16xf32>
      tpu.vector_store %arg9[%swap3A_74, %swap3A_75], %swap3A_78 {strides = array<i32>} : memref<128x128xf32, #tpu.memory_space<vmem>>, vector<1x16xf32>,
      %broadcast_in_dim3A_79 = arith.constant 0.000000e+00 : f32
      %broadcast_in_dim3A_80 = vector.broadcast %broadcast_in_dim3A_79 : f32 to vector<16xf32>
      %swap3A_81 = arith.index_cast %scan3A_31 : i32 to index
      %swap3A_82 = arith.constant 112 : index
      %swap3A_83 = tpu.vector_load %arg9[%swap3A_81, %swap3A_82] {strides = array<i32>} : memref<128x128xf32, #tpu.memory_space<vmem>>, vector<1x16xf32>,
      %swap3A_84 = vector.shape_cast %swap3A_83 : vector<1x16xf32> to vector<16xf32>
      %swap3A_85 = vector.shape_cast %broadcast_in_dim3A_80 : vector<16xf32> to vector<1x16xf32>
      tpu.vector_store %arg9[%swap3A_81, %swap3A_82], %swap3A_85 {strides = array<i32>} : memref<128x128xf32, #tpu.memory_space<vmem>>, vector<1x16xf32>,
    }
    %scan3A_5 = arith.constant 128 : i32
    %scan3A_6 = arith.constant 0 : i32
    %scan3A_7 = arith.constant 0 : i32
    %scan3A_8 = arith.constant 5 : i32
    %scan3A_9 = arith.addi %scan3A_7, %scan3A_8 : i32
    %scan3A_10 = arith.constant 1 : i32
    scf.for %scan3A_31 = %scan3A_7 to %scan3A_9 step %scan3A_10  : i32 {
      %mul3A_32 = arith.constant 640 : i32
      %mul3A_33 = arith.muli %arg1, %mul3A_32 : i32
      %mul3A_34 = arith.constant 128 : i32
      %mul3A_35 = arith.muli %scan3A_31, %mul3A_34 : i32
      %add3A_36 = arith.addi %mul3A_33, %mul3A_35 : i32
      "tpu.region"() ({
        %run_scoped3A = tpu.sem_alloc : memref<!tpu.dma_semaphore, #tpu.memory_space<semaphore_mem>>
        %dma_start3A = arith.constant 0 : i32
        %dma_start3A_37 = tpu.memref_slice %arg6[%add3A_36, %dma_start3A] : memref<10240x128xf32, #tpu.memory_space<vmem_shared>> -> memref<128x128xf32, #tpu.memory_space<vmem_shared>>
        %dma_start3A_38 = arith.constant 0 : i32
        %dma_start3A_39 = tpu.memref_slice %arg6[%add3A_36, %dma_start3A_38] : memref<10240x128xf32, #tpu.memory_space<vmem_shared>> -> memref<128x128xf32, #tpu.memory_space<vmem_shared>>
        tpu.enqueue_dma source(%arg9 : memref<128x128xf32, #tpu.memory_space<vmem>>) target(%dma_start3A_39 : memref<128x128xf32, #tpu.memory_space<vmem_shared>>) target_semaphore(%run_scoped3A : memref<!tpu.dma_semaphore, #tpu.memory_space<semaphore_mem>>)
        %dma_wait3A = arith.constant 0 : i32
        %dma_wait3A_40 = tpu.memref_slice %arg6[%add3A_36, %dma_wait3A] : memref<10240x128xf32, #tpu.memory_space<vmem_shared>> -> memref<128x128xf32, #tpu.memory_space<vmem_shared>>
        %dma_wait3A_41 = arith.constant 0 : i32
        %dma_wait3A_42 = tpu.memref_slice %arg6[%add3A_36, %dma_wait3A_41] : memref<10240x128xf32, #tpu.memory_space<vmem_shared>> -> memref<128x128xf32, #tpu.memory_space<vmem_shared>>
        tpu.wait_dma2 semaphore(%run_scoped3A : memref<!tpu.dma_semaphore, #tpu.memory_space<semaphore_mem>>) src(%arg9 : memref<128x128xf32, #tpu.memory_space<vmem>>) dst(%dma_wait3A_42 : memref<128x128xf32, #tpu.memory_space<vmem_shared>>)
        tpu.yield
      }) : () -> ()
    }
    %scan3A_11 = arith.constant 5 : i32
    "tpu.region"() ({
      %run_scoped3A = tpu.sem_alloc : memref<!tpu.dma_semaphore, #tpu.memory_space<semaphore_mem>>
      tpu.enqueue_dma source(%arg4 : memref<1x16xf32, #tpu.memory_space<hbm>>) target(%arg10 : memref<1x16xf32, #tpu.memory_space<vmem>>) target_semaphore(%run_scoped3A : memref<!tpu.dma_semaphore, #tpu.memory_space<semaphore_mem>>)
      tpu.wait_dma2 semaphore(%run_scoped3A : memref<!tpu.dma_semaphore, #tpu.memory_space<semaphore_mem>>) src(%arg4 : memref<1x16xf32, #tpu.memory_space<hbm>>) dst(%arg10 : memref<1x16xf32, #tpu.memory_space<vmem>>)
      tpu.yield
    }) : () -> ()
    %barrier3A = arith.constant 0 : index
    tpu.barrier barrier_id(%barrier3A)
    %get3A = arith.constant 0 : i32
    %get3A_12 = arith.index_cast %get3A : i32 to index
    %get3A_13 = arith.constant 0 : index
    %get3A_14 = tpu.vector_load %arg10[%get3A_12, %get3A_13] {strides = array<i32>} : memref<1x16xf32, #tpu.memory_space<vmem>>, vector<1x16xf32>,
    %get3A_15 = vector.shape_cast %get3A_14 : vector<1x16xf32> to vector<16xf32>
    %mul3A_16 = arith.constant 10000 : i32
    %mul3A_17 = arith.muli %add3A, %mul3A_16 : i32
    %scan3A_18 = arith.constant 0 : i32
    %scan3A_19 = arith.constant 0 : i32
    %scan3A_20 = arith.constant 125 : i32
    %scan3A_21 = arith.addi %scan3A_19, %scan3A_20 : i32
    %scan3A_22 = arith.constant 1 : i32
    scf.for %scan3A_31 = %scan3A_19 to %scan3A_21 step %scan3A_22  : i32 {
      %mul3A_32 = arith.constant 80 : i32
      %mul3A_33 = arith.muli %scan3A_31, %mul3A_32 : i32
      %add3A_34 = arith.addi %mul3A_17, %mul3A_33 : i32
      "tpu.region"() ({
        %run_scoped3A = tpu.sem_alloc : memref<!tpu.dma_semaphore, #tpu.memory_space<semaphore_mem>>
        %dma_start3A = arith.constant 0 : i32
        %dma_start3A_41 = tpu.memref_slice %arg2[%add3A_34, %dma_start3A] : memref<320000x128xf32, #tpu.memory_space<hbm>> -> memref<80x128xf32, #tpu.memory_space<hbm>>
        %dma_start3A_42 = arith.constant 0 : i32
        %dma_start3A_43 = tpu.memref_slice %arg2[%add3A_34, %dma_start3A_42] : memref<320000x128xf32, #tpu.memory_space<hbm>> -> memref<80x128xf32, #tpu.memory_space<hbm>>
        tpu.enqueue_dma source(%dma_start3A_43 : memref<80x128xf32, #tpu.memory_space<hbm>>) target(%arg7 : memref<80x128xf32, #tpu.memory_space<vmem>>) target_semaphore(%run_scoped3A : memref<!tpu.dma_semaphore, #tpu.memory_space<semaphore_mem>>)
        %dma_wait3A = arith.constant 0 : i32
        %dma_wait3A_44 = tpu.memref_slice %arg2[%add3A_34, %dma_wait3A] : memref<320000x128xf32, #tpu.memory_space<hbm>> -> memref<80x128xf32, #tpu.memory_space<hbm>>
        %dma_wait3A_45 = arith.constant 0 : i32
        %dma_wait3A_46 = tpu.memref_slice %arg2[%add3A_34, %dma_wait3A_45] : memref<320000x128xf32, #tpu.memory_space<hbm>> -> memref<80x128xf32, #tpu.memory_space<hbm>>
        tpu.wait_dma2 semaphore(%run_scoped3A : memref<!tpu.dma_semaphore, #tpu.memory_space<semaphore_mem>>) src(%dma_wait3A_46 : memref<80x128xf32, #tpu.memory_space<hbm>>) dst(%arg7 : memref<80x128xf32, #tpu.memory_space<vmem>>)
        tpu.yield
      }) : () -> ()
      "tpu.region"() ({
        %run_scoped3A = tpu.sem_alloc : memref<!tpu.dma_semaphore, #tpu.memory_space<semaphore_mem>>
        %dma_start3A = tpu.memref_slice %arg3[%add3A_34] : memref<320000xi32, #tpu.memory_space<hbm>> -> memref<80xi32, #tpu.memory_space<hbm>>
        %dma_start3A_41 = tpu.memref_slice %arg3[%add3A_34] : memref<320000xi32, #tpu.memory_space<hbm>> -> memref<80xi32, #tpu.memory_space<hbm>>
        tpu.enqueue_dma source(%dma_start3A_41 : memref<80xi32, #tpu.memory_space<hbm>>) target(%arg8 : memref<80xi32, #tpu.memory_space<vmem>>) target_semaphore(%run_scoped3A : memref<!tpu.dma_semaphore, #tpu.memory_space<semaphore_mem>>)
        %dma_wait3A = tpu.memref_slice %arg3[%add3A_34] : memref<320000xi32, #tpu.memory_space<hbm>> -> memref<80xi32, #tpu.memory_space<hbm>>
        %dma_wait3A_42 = tpu.memref_slice %arg3[%add3A_34] : memref<320000xi32, #tpu.memory_space<hbm>> -> memref<80xi32, #tpu.memory_space<hbm>>
        tpu.wait_dma2 semaphore(%run_scoped3A : memref<!tpu.dma_semaphore, #tpu.memory_space<semaphore_mem>>) src(%dma_wait3A_42 : memref<80xi32, #tpu.memory_space<hbm>>) dst(%arg8 : memref<80xi32, #tpu.memory_space<vmem>>)
        tpu.yield
      }) : () -> ()
      %scan3A_35 = arith.constant 0 : i32
      %scan3A_36 = arith.constant 0 : i32
      %scan3A_37 = arith.constant 80 : i32
      %scan3A_38 = arith.addi %scan3A_36, %scan3A_37 : i32
      %scan3A_39 = arith.constant 1 : i32
      scf.for %scan3A_41 = %scan3A_36 to %scan3A_38 step %scan3A_39  : i32 {
        %get3A_42 = arith.index_cast %scan3A_41 : i32 to index
        %get3A_43 = arith.constant 0 : index
        %get3A_44 = tpu.vector_load %arg7[%get3A_42, %get3A_43] {strides = array<i32>} : memref<80x128xf32, #tpu.memory_space<vmem>>, vector<1x16xf32>,
        %get3A_45 = vector.shape_cast %get3A_44 : vector<1x16xf32> to vector<16xf32>
        %sub3A = arith.subf %get3A_45, %get3A_15 : vector<16xf32>
        %exp3A = math.exp %sub3A : vector<16xf32>
        %swap3A = arith.index_cast %scan3A_41 : i32 to index
        %swap3A_46 = arith.constant 0 : index
        %swap3A_47 = tpu.vector_load %arg7[%swap3A, %swap3A_46] {strides = array<i32>} : memref<80x128xf32, #tpu.memory_space<vmem>>, vector<1x16xf32>,
        %swap3A_48 = vector.shape_cast %swap3A_47 : vector<1x16xf32> to vector<16xf32>
        %swap3A_49 = vector.shape_cast %exp3A : vector<16xf32> to vector<1x16xf32>
        tpu.vector_store %arg7[%swap3A, %swap3A_46], %swap3A_49 {strides = array<i32>} : memref<80x128xf32, #tpu.memory_space<vmem>>, vector<1x16xf32>,
        %get3A_50 = arith.index_cast %scan3A_41 : i32 to index
        %get3A_51 = arith.constant 16 : index
        %get3A_52 = tpu.vector_load %arg7[%get3A_50, %get3A_51] {strides = array<i32>} : memref<80x128xf32, #tpu.memory_space<vmem>>, vector<1x16xf32>,
        %get3A_53 = vector.shape_cast %get3A_52 : vector<1x16xf32> to vector<16xf32>
        %mul3A_54 = arith.mulf %exp3A, %get3A_53 : vector<16xf32>
        %swap3A_55 = arith.index_cast %scan3A_41 : i32 to index
        %swap3A_56 = arith.constant 16 : index
        %swap3A_57 = tpu.vector_load %arg7[%swap3A_55, %swap3A_56] {strides = array<i32>} : memref<80x128xf32, #tpu.memory_space<vmem>>, vector<1x16xf32>,
        %swap3A_58 = vector.shape_cast %swap3A_57 : vector<1x16xf32> to vector<16xf32>
        %swap3A_59 = vector.shape_cast %mul3A_54 : vector<16xf32> to vector<1x16xf32>
        tpu.vector_store %arg7[%swap3A_55, %swap3A_56], %swap3A_59 {strides = array<i32>} : memref<80x128xf32, #tpu.memory_space<vmem>>, vector<1x16xf32>,
        %get3A_60 = arith.index_cast %scan3A_41 : i32 to index
        %get3A_61 = arith.constant 32 : index
        %get3A_62 = tpu.vector_load %arg7[%get3A_60, %get3A_61] {strides = array<i32>} : memref<80x128xf32, #tpu.memory_space<vmem>>, vector<1x16xf32>,
        %get3A_63 = vector.shape_cast %get3A_62 : vector<1x16xf32> to vector<16xf32>
        %mul3A_64 = arith.mulf %exp3A, %get3A_63 : vector<16xf32>
        %swap3A_65 = arith.index_cast %scan3A_41 : i32 to index
        %swap3A_66 = arith.constant 32 : index
        %swap3A_67 = tpu.vector_load %arg7[%swap3A_65, %swap3A_66] {strides = array<i32>} : memref<80x128xf32, #tpu.memory_space<vmem>>, vector<1x16xf32>,
        %swap3A_68 = vector.shape_cast %swap3A_67 : vector<1x16xf32> to vector<16xf32>
        %swap3A_69 = vector.shape_cast %mul3A_64 : vector<16xf32> to vector<1x16xf32>
        tpu.vector_store %arg7[%swap3A_65, %swap3A_66], %swap3A_69 {strides = array<i32>} : memref<80x128xf32, #tpu.memory_space<vmem>>, vector<1x16xf32>,
        %get3A_70 = arith.index_cast %scan3A_41 : i32 to index
        %get3A_71 = arith.constant 48 : index
        %get3A_72 = tpu.vector_load %arg7[%get3A_70, %get3A_71] {strides = array<i32>} : memref<80x128xf32, #tpu.memory_space<vmem>>, vector<1x16xf32>,
        %get3A_73 = vector.shape_cast %get3A_72 : vector<1x16xf32> to vector<16xf32>
        %mul3A_74 = arith.mulf %exp3A, %get3A_73 : vector<16xf32>
        %swap3A_75 = arith.index_cast %scan3A_41 : i32 to index
        %swap3A_76 = arith.constant 48 : index
        %swap3A_77 = tpu.vector_load %arg7[%swap3A_75, %swap3A_76] {strides = array<i32>} : memref<80x128xf32, #tpu.memory_space<vmem>>, vector<1x16xf32>,
        %swap3A_78 = vector.shape_cast %swap3A_77 : vector<1x16xf32> to vector<16xf32>
        %swap3A_79 = vector.shape_cast %mul3A_74 : vector<16xf32> to vector<1x16xf32>
        tpu.vector_store %arg7[%swap3A_75, %swap3A_76], %swap3A_79 {strides = array<i32>} : memref<80x128xf32, #tpu.memory_space<vmem>>, vector<1x16xf32>,
      }
      %scan3A_40 = arith.constant 80 : i32
      "tpu.region"() ({
        %run_scoped3A = tpu.sem_alloc : memref<!tpu.dma_semaphore, #tpu.memory_space<semaphore_mem>>
        %dma_start3A = arith.constant 0 : i32
        %dma_start3A_41 = arith.constant 0 : i32
        %dma_start3A_42 = tpu.memref_slice %arg6[%dma_start3A, %dma_start3A_41] : memref<10240x128xf32, #tpu.memory_space<vmem_shared>> -> memref<10240x128xf32, #tpu.memory_space<vmem_shared>>
        tpu.enqueue_indirect_dma source(%arg7 : memref<80x128xf32, #tpu.memory_space<vmem>>) target(%dma_start3A_42 : memref<10240x128xf32, #tpu.memory_space<vmem_shared>>) offsets(%arg8 : memref<80xi32, #tpu.memory_space<vmem>>) semaphore(%run_scoped3A : memref<!tpu.dma_semaphore, #tpu.memory_space<semaphore_mem>>) {add = true}
        %dma_wait3A = arith.constant 0 : i32
        %dma_wait3A_43 = arith.constant 0 : i32
        %dma_wait3A_44 = tpu.memref_slice %arg6[%dma_wait3A, %dma_wait3A_43] : memref<10240x128xf32, #tpu.memory_space<vmem_shared>> -> memref<10240x128xf32, #tpu.memory_space<vmem_shared>>
        tpu.wait_indirect_dma semaphore(%run_scoped3A : memref<!tpu.dma_semaphore, #tpu.memory_space<semaphore_mem>>) src(%arg7 : memref<80x128xf32, #tpu.memory_space<vmem>>) dst(%dma_wait3A_44 : memref<10240x128xf32, #tpu.memory_space<vmem_shared>>)
        tpu.yield
      }) : () -> ()
    }
    %scan3A_23 = arith.constant 125 : i32
    %barrier3A_24 = arith.constant 0 : index
    tpu.barrier barrier_id(%barrier3A_24)
    %scan3A_25 = arith.constant 0 : i32
    %scan3A_26 = arith.constant 0 : i32
    %scan3A_27 = arith.constant 5 : i32
    %scan3A_28 = arith.addi %scan3A_26, %scan3A_27 : i32
    %scan3A_29 = arith.constant 1 : i32
    scf.for %scan3A_31 = %scan3A_26 to %scan3A_28 step %scan3A_29  : i32 {
      %mul3A_32 = arith.constant 640 : i32
      %mul3A_33 = arith.muli %arg1, %mul3A_32 : i32
      %mul3A_34 = arith.constant 128 : i32
      %mul3A_35 = arith.muli %scan3A_31, %mul3A_34 : i32
      %add3A_36 = arith.addi %mul3A_33, %mul3A_35 : i32
      "tpu.region"() ({
        %run_scoped3A = tpu.sem_alloc : memref<!tpu.dma_semaphore, #tpu.memory_space<semaphore_mem>>
        %dma_start3A = arith.constant 0 : i32
        %dma_start3A_37 = tpu.memref_slice %arg6[%add3A_36, %dma_start3A] : memref<10240x128xf32, #tpu.memory_space<vmem_shared>> -> memref<128x128xf32, #tpu.memory_space<vmem_shared>>
        %dma_start3A_38 = arith.constant 0 : i32
        %dma_start3A_39 = tpu.memref_slice %arg6[%add3A_36, %dma_start3A_38] : memref<10240x128xf32, #tpu.memory_space<vmem_shared>> -> memref<128x128xf32, #tpu.memory_space<vmem_shared>>
        tpu.enqueue_dma source(%dma_start3A_39 : memref<128x128xf32, #tpu.memory_space<vmem_shared>>) target(%arg9 : memref<128x128xf32, #tpu.memory_space<vmem>>) target_semaphore(%run_scoped3A : memref<!tpu.dma_semaphore, #tpu.memory_space<semaphore_mem>>)
        %dma_wait3A = arith.constant 0 : i32
        %dma_wait3A_40 = tpu.memref_slice %arg6[%add3A_36, %dma_wait3A] : memref<10240x128xf32, #tpu.memory_space<vmem_shared>> -> memref<128x128xf32, #tpu.memory_space<vmem_shared>>
        %dma_wait3A_41 = arith.constant 0 : i32
        %dma_wait3A_42 = tpu.memref_slice %arg6[%add3A_36, %dma_wait3A_41] : memref<10240x128xf32, #tpu.memory_space<vmem_shared>> -> memref<128x128xf32, #tpu.memory_space<vmem_shared>>
        tpu.wait_dma2 semaphore(%run_scoped3A : memref<!tpu.dma_semaphore, #tpu.memory_space<semaphore_mem>>) src(%dma_wait3A_42 : memref<128x128xf32, #tpu.memory_space<vmem_shared>>) dst(%arg9 : memref<128x128xf32, #tpu.memory_space<vmem>>)
        tpu.yield
      }) : () -> ()
      "tpu.region"() ({
        %run_scoped3A = tpu.sem_alloc : memref<!tpu.dma_semaphore, #tpu.memory_space<semaphore_mem>>
        %dma_start3A = arith.constant 0 : i32
        %dma_start3A_37 = tpu.memref_slice %arg5[%arg0, %add3A_36, %dma_start3A] : memref<2x10240x128xf32, #tpu.memory_space<hbm>> -> memref<1x128x128xf32, #tpu.memory_space<hbm>>
        %dma_start3A_38 = tpu.memref_squeeze %dma_start3A_37 : memref<1x128x128xf32, #tpu.memory_space<hbm>> -> memref<128x128xf32, #tpu.memory_space<hbm>>
        %dma_start3A_39 = arith.constant 0 : i32
        %dma_start3A_40 = tpu.memref_slice %arg5[%arg0, %add3A_36, %dma_start3A_39] : memref<2x10240x128xf32, #tpu.memory_space<hbm>> -> memref<1x128x128xf32, #tpu.memory_space<hbm>>
        %dma_start3A_41 = tpu.memref_squeeze %dma_start3A_40 : memref<1x128x128xf32, #tpu.memory_space<hbm>> -> memref<128x128xf32, #tpu.memory_space<hbm>>
        tpu.enqueue_dma source(%arg9 : memref<128x128xf32, #tpu.memory_space<vmem>>) target(%dma_start3A_41 : memref<128x128xf32, #tpu.memory_space<hbm>>) target_semaphore(%run_scoped3A : memref<!tpu.dma_semaphore, #tpu.memory_space<semaphore_mem>>)
        %dma_wait3A = arith.constant 0 : i32
        %dma_wait3A_42 = tpu.memref_slice %arg5[%arg0, %add3A_36, %dma_wait3A] : memref<2x10240x128xf32, #tpu.memory_space<hbm>> -> memref<1x128x128xf32, #tpu.memory_space<hbm>>
        %dma_wait3A_43 = tpu.memref_squeeze %dma_wait3A_42 : memref<1x128x128xf32, #tpu.memory_space<hbm>> -> memref<128x128xf32, #tpu.memory_space<hbm>>
        %dma_wait3A_44 = arith.constant 0 : i32
        %dma_wait3A_45 = tpu.memref_slice %arg5[%arg0, %add3A_36, %dma_wait3A_44] : memref<2x10240x128xf32, #tpu.memory_space<hbm>> -> memref<1x128x128xf32, #tpu.memory_space<hbm>>
        %dma_wait3A_46 = tpu.memref_squeeze %dma_wait3A_45 : memref<1x128x128xf32, #tpu.memory_space<hbm>> -> memref<128x128xf32, #tpu.memory_space<hbm>>
        tpu.wait_dma2 semaphore(%run_scoped3A : memref<!tpu.dma_semaphore, #tpu.memory_space<semaphore_mem>>) src(%arg9 : memref<128x128xf32, #tpu.memory_space<vmem>>) dst(%dma_wait3A_46 : memref<128x128xf32, #tpu.memory_space<hbm>>)
        tpu.yield
      }) : () -> ()
    }
    %scan3A_30 = arith.constant 5 : i32
    return
  }
}

#map = affine_map<(d0, d1) -> (0, 0)>
#map1 = affine_map<(d0, d1) -> (0)>
module attributes {stable_mosaic.version = 14 : i64} {
  func.func @gather_k(%arg0: i32, %arg1: i32, %arg2: memref<10000x256xf32, #tpu.memory_space<hbm>>, %arg3: memref<10000x128xf32, #tpu.memory_space<hbm>>, %arg4: memref<320000xi32, #tpu.memory_space<hbm>>, %arg5: memref<320000xi32, #tpu.memory_space<hbm>>, %arg6: memref<320000x256xf32, #tpu.memory_space<hbm>>, %arg7: memref<320000x128xf32, #tpu.memory_space<hbm>>, %arg8: memref<80xi32, #tpu.memory_space<vmem>>, %arg9: memref<80xi32, #tpu.memory_space<vmem>>, %arg10: memref<80x256xf32, #tpu.memory_space<vmem>>, %arg11: memref<80x128xf32, #tpu.memory_space<vmem>>, %arg12: memref<!tpu.dma_semaphore, #tpu.memory_space<semaphore_mem>>, %arg13: memref<!tpu.dma_semaphore, #tpu.memory_space<semaphore_mem>>) attributes {dimension_semantics = [#tpu.dimension_semantics<core_parallel>, #tpu.dimension_semantics<subcore_parallel>], iteration_bounds = array<i64: 2, 16>, scalar_prefetch = 0 : i64, scratch_operands = 6 : i64, tpu.core_type = #tpu.core_type<sc_vector_subcore>, window_params = [{transform_indices = #map}, {transform_indices = #map}, {transform_indices = #map1}, {transform_indices = #map1}, {transform_indices = #map}, {transform_indices = #map}]} {
    %mul3A = arith.constant 2 : i32
    %mul3A_0 = arith.muli %arg1, %mul3A : i32
    %add3A = arith.addi %mul3A_0, %arg0 : i32
    %mul3A_1 = arith.constant 10000 : i32
    %mul3A_2 = arith.muli %add3A, %mul3A_1 : i32
    %scan3A = arith.constant 0 : i32
    %scan3A_3 = arith.constant 0 : i32
    %scan3A_4 = arith.constant 125 : i32
    %scan3A_5 = arith.addi %scan3A_3, %scan3A_4 : i32
    %scan3A_6 = arith.constant 1 : i32
    scf.for %scan3A_8 = %scan3A_3 to %scan3A_5 step %scan3A_6  : i32 {
      %mul3A_9 = arith.constant 80 : i32
      %mul3A_10 = arith.muli %scan3A_8, %mul3A_9 : i32
      %add3A_11 = arith.addi %mul3A_2, %mul3A_10 : i32
      "tpu.region"() ({
        %run_scoped3A = tpu.sem_alloc : memref<!tpu.dma_semaphore, #tpu.memory_space<semaphore_mem>>
        %dma_start3A_22 = tpu.memref_slice %arg4[%add3A_11] : memref<320000xi32, #tpu.memory_space<hbm>> -> memref<80xi32, #tpu.memory_space<hbm>>
        %dma_start3A_23 = tpu.memref_slice %arg4[%add3A_11] : memref<320000xi32, #tpu.memory_space<hbm>> -> memref<80xi32, #tpu.memory_space<hbm>>
        tpu.enqueue_dma source(%dma_start3A_23 : memref<80xi32, #tpu.memory_space<hbm>>) target(%arg8 : memref<80xi32, #tpu.memory_space<vmem>>) target_semaphore(%run_scoped3A : memref<!tpu.dma_semaphore, #tpu.memory_space<semaphore_mem>>)
        %dma_wait3A_24 = tpu.memref_slice %arg4[%add3A_11] : memref<320000xi32, #tpu.memory_space<hbm>> -> memref<80xi32, #tpu.memory_space<hbm>>
        %dma_wait3A_25 = tpu.memref_slice %arg4[%add3A_11] : memref<320000xi32, #tpu.memory_space<hbm>> -> memref<80xi32, #tpu.memory_space<hbm>>
        tpu.wait_dma2 semaphore(%run_scoped3A : memref<!tpu.dma_semaphore, #tpu.memory_space<semaphore_mem>>) src(%dma_wait3A_25 : memref<80xi32, #tpu.memory_space<hbm>>) dst(%arg8 : memref<80xi32, #tpu.memory_space<vmem>>)
        tpu.yield
      }) : () -> ()
      "tpu.region"() ({
        %run_scoped3A = tpu.sem_alloc : memref<!tpu.dma_semaphore, #tpu.memory_space<semaphore_mem>>
        %dma_start3A_22 = tpu.memref_slice %arg5[%add3A_11] : memref<320000xi32, #tpu.memory_space<hbm>> -> memref<80xi32, #tpu.memory_space<hbm>>
        %dma_start3A_23 = tpu.memref_slice %arg5[%add3A_11] : memref<320000xi32, #tpu.memory_space<hbm>> -> memref<80xi32, #tpu.memory_space<hbm>>
        tpu.enqueue_dma source(%dma_start3A_23 : memref<80xi32, #tpu.memory_space<hbm>>) target(%arg9 : memref<80xi32, #tpu.memory_space<vmem>>) target_semaphore(%run_scoped3A : memref<!tpu.dma_semaphore, #tpu.memory_space<semaphore_mem>>)
        %dma_wait3A_24 = tpu.memref_slice %arg5[%add3A_11] : memref<320000xi32, #tpu.memory_space<hbm>> -> memref<80xi32, #tpu.memory_space<hbm>>
        %dma_wait3A_25 = tpu.memref_slice %arg5[%add3A_11] : memref<320000xi32, #tpu.memory_space<hbm>> -> memref<80xi32, #tpu.memory_space<hbm>>
        tpu.wait_dma2 semaphore(%run_scoped3A : memref<!tpu.dma_semaphore, #tpu.memory_space<semaphore_mem>>) src(%dma_wait3A_25 : memref<80xi32, #tpu.memory_space<hbm>>) dst(%arg9 : memref<80xi32, #tpu.memory_space<vmem>>)
        tpu.yield
      }) : () -> ()
      %dma_start3A = arith.constant 0 : i32
      %dma_start3A_12 = arith.constant 0 : i32
      %dma_start3A_13 = tpu.memref_slice %arg2[%dma_start3A, %dma_start3A_12] : memref<10000x256xf32, #tpu.memory_space<hbm>> -> memref<10000x256xf32, #tpu.memory_space<hbm>>
      tpu.enqueue_indirect_dma source(%dma_start3A_13 : memref<10000x256xf32, #tpu.memory_space<hbm>>) target(%arg10 : memref<80x256xf32, #tpu.memory_space<vmem>>) offsets(%arg8 : memref<80xi32, #tpu.memory_space<vmem>>) semaphore(%arg12 : memref<!tpu.dma_semaphore, #tpu.memory_space<semaphore_mem>>)
      %dma_start3A_14 = arith.constant 0 : i32
      %dma_start3A_15 = arith.constant 0 : i32
      %dma_start3A_16 = tpu.memref_slice %arg3[%dma_start3A_14, %dma_start3A_15] : memref<10000x128xf32, #tpu.memory_space<hbm>> -> memref<10000x128xf32, #tpu.memory_space<hbm>>
      tpu.enqueue_indirect_dma source(%dma_start3A_16 : memref<10000x128xf32, #tpu.memory_space<hbm>>) target(%arg11 : memref<80x128xf32, #tpu.memory_space<vmem>>) offsets(%arg9 : memref<80xi32, #tpu.memory_space<vmem>>) semaphore(%arg13 : memref<!tpu.dma_semaphore, #tpu.memory_space<semaphore_mem>>)
      %dma_wait3A = arith.constant 0 : i32
      %dma_wait3A_17 = arith.constant 0 : i32
      %dma_wait3A_18 = tpu.memref_slice %arg2[%dma_wait3A, %dma_wait3A_17] : memref<10000x256xf32, #tpu.memory_space<hbm>> -> memref<10000x256xf32, #tpu.memory_space<hbm>>
      tpu.wait_indirect_dma semaphore(%arg12 : memref<!tpu.dma_semaphore, #tpu.memory_space<semaphore_mem>>) src(%dma_wait3A_18 : memref<10000x256xf32, #tpu.memory_space<hbm>>) dst(%arg10 : memref<80x256xf32, #tpu.memory_space<vmem>>)
      %dma_wait3A_19 = arith.constant 0 : i32
      %dma_wait3A_20 = arith.constant 0 : i32
      %dma_wait3A_21 = tpu.memref_slice %arg3[%dma_wait3A_19, %dma_wait3A_20] : memref<10000x128xf32, #tpu.memory_space<hbm>> -> memref<10000x128xf32, #tpu.memory_space<hbm>>
      tpu.wait_indirect_dma semaphore(%arg13 : memref<!tpu.dma_semaphore, #tpu.memory_space<semaphore_mem>>) src(%dma_wait3A_21 : memref<10000x128xf32, #tpu.memory_space<hbm>>) dst(%arg11 : memref<80x128xf32, #tpu.memory_space<vmem>>)
      "tpu.region"() ({
        %run_scoped3A = tpu.sem_alloc : memref<!tpu.dma_semaphore, #tpu.memory_space<semaphore_mem>>
        %dma_start3A_22 = arith.constant 0 : i32
        %dma_start3A_23 = tpu.memref_slice %arg6[%add3A_11, %dma_start3A_22] : memref<320000x256xf32, #tpu.memory_space<hbm>> -> memref<80x256xf32, #tpu.memory_space<hbm>>
        %dma_start3A_24 = arith.constant 0 : i32
        %dma_start3A_25 = tpu.memref_slice %arg6[%add3A_11, %dma_start3A_24] : memref<320000x256xf32, #tpu.memory_space<hbm>> -> memref<80x256xf32, #tpu.memory_space<hbm>>
        tpu.enqueue_dma source(%arg10 : memref<80x256xf32, #tpu.memory_space<vmem>>) target(%dma_start3A_25 : memref<80x256xf32, #tpu.memory_space<hbm>>) target_semaphore(%run_scoped3A : memref<!tpu.dma_semaphore, #tpu.memory_space<semaphore_mem>>)
        %dma_wait3A_26 = arith.constant 0 : i32
        %dma_wait3A_27 = tpu.memref_slice %arg6[%add3A_11, %dma_wait3A_26] : memref<320000x256xf32, #tpu.memory_space<hbm>> -> memref<80x256xf32, #tpu.memory_space<hbm>>
        %dma_wait3A_28 = arith.constant 0 : i32
        %dma_wait3A_29 = tpu.memref_slice %arg6[%add3A_11, %dma_wait3A_28] : memref<320000x256xf32, #tpu.memory_space<hbm>> -> memref<80x256xf32, #tpu.memory_space<hbm>>
        tpu.wait_dma2 semaphore(%run_scoped3A : memref<!tpu.dma_semaphore, #tpu.memory_space<semaphore_mem>>) src(%arg10 : memref<80x256xf32, #tpu.memory_space<vmem>>) dst(%dma_wait3A_29 : memref<80x256xf32, #tpu.memory_space<hbm>>)
        tpu.yield
      }) : () -> ()
      "tpu.region"() ({
        %run_scoped3A = tpu.sem_alloc : memref<!tpu.dma_semaphore, #tpu.memory_space<semaphore_mem>>
        %dma_start3A_22 = arith.constant 0 : i32
        %dma_start3A_23 = tpu.memref_slice %arg7[%add3A_11, %dma_start3A_22] : memref<320000x128xf32, #tpu.memory_space<hbm>> -> memref<80x128xf32, #tpu.memory_space<hbm>>
        %dma_start3A_24 = arith.constant 0 : i32
        %dma_start3A_25 = tpu.memref_slice %arg7[%add3A_11, %dma_start3A_24] : memref<320000x128xf32, #tpu.memory_space<hbm>> -> memref<80x128xf32, #tpu.memory_space<hbm>>
        tpu.enqueue_dma source(%arg11 : memref<80x128xf32, #tpu.memory_space<vmem>>) target(%dma_start3A_25 : memref<80x128xf32, #tpu.memory_space<hbm>>) target_semaphore(%run_scoped3A : memref<!tpu.dma_semaphore, #tpu.memory_space<semaphore_mem>>)
        %dma_wait3A_26 = arith.constant 0 : i32
        %dma_wait3A_27 = tpu.memref_slice %arg7[%add3A_11, %dma_wait3A_26] : memref<320000x128xf32, #tpu.memory_space<hbm>> -> memref<80x128xf32, #tpu.memory_space<hbm>>
        %dma_wait3A_28 = arith.constant 0 : i32
        %dma_wait3A_29 = tpu.memref_slice %arg7[%add3A_11, %dma_wait3A_28] : memref<320000x128xf32, #tpu.memory_space<hbm>> -> memref<80x128xf32, #tpu.memory_space<hbm>>
        tpu.wait_dma2 semaphore(%run_scoped3A : memref<!tpu.dma_semaphore, #tpu.memory_space<semaphore_mem>>) src(%arg11 : memref<80x128xf32, #tpu.memory_space<vmem>>) dst(%dma_wait3A_29 : memref<80x128xf32, #tpu.memory_space<hbm>>)
        tpu.yield
      }) : () -> ()
    }
    %scan3A_7 = arith.constant 125 : i32
    return
  }
}

module attributes {stable_mosaic.version = 14 : i64} {
  func.func @_node_body(%arg0: i32, %arg1: memref<400x128xf32, #tpu.memory_space<vmem>>, %arg2: memref<128x256xf32, #tpu.memory_space<vmem>>, %arg3: memref<128x256xf32, #tpu.memory_space<vmem>>, %arg4: memref<128x128xf32, #tpu.memory_space<vmem>>, %arg5: memref<1x128xf32, #tpu.memory_space<vmem>>, %arg6: memref<1x128xf32, #tpu.memory_space<vmem>>, %arg7: memref<1x128xf32, #tpu.memory_space<vmem>>, %arg8: memref<128x128xf32, #tpu.memory_space<vmem>>, %arg9: memref<1x128xf32, #tpu.memory_space<vmem>>, %arg10: memref<400x384xf32, #tpu.memory_space<vmem>>, %arg11: memref<400x256xf32, #tpu.memory_space<vmem>>) attributes {dimension_semantics = [#tpu.dimension_semantics<arbitrary>], iteration_bounds = array<i64: 25>, scalar_prefetch = 0 : i64, scratch_operands = 0 : i64, tpu.core_type = #tpu.core_type<tc>, window_params = [{transform_indices = @transform_0, window_bounds = array<i64: 400, 128>}, {pipeline_mode = #tpu.pipeline_mode<synchronous>, transform_indices = @transform_1, window_bounds = array<i64: 128, 256>}, {pipeline_mode = #tpu.pipeline_mode<synchronous>, transform_indices = @transform_2, window_bounds = array<i64: 128, 256>}, {pipeline_mode = #tpu.pipeline_mode<synchronous>, transform_indices = @transform_3, window_bounds = array<i64: 128, 128>}, {pipeline_mode = #tpu.pipeline_mode<synchronous>, transform_indices = @transform_4, window_bounds = array<i64: 1, 128>}, {pipeline_mode = #tpu.pipeline_mode<synchronous>, transform_indices = @transform_5, window_bounds = array<i64: 1, 128>}, {pipeline_mode = #tpu.pipeline_mode<synchronous>, transform_indices = @transform_6, window_bounds = array<i64: 1, 128>}, {pipeline_mode = #tpu.pipeline_mode<synchronous>, transform_indices = @transform_7, window_bounds = array<i64: 128, 128>}, {pipeline_mode = #tpu.pipeline_mode<synchronous>, transform_indices = @transform_8, window_bounds = array<i64: 1, 128>}, {transform_indices = @transform_9, window_bounds = array<i64: 400, 384>}, {transform_indices = @transform_10, window_bounds = array<i64: 400, 256>}]} {
    %get3A = arith.constant 0 : index
    %get3A_0 = arith.constant 0 : index
    %get3A_1 = vector.load %arg1[%get3A, %get3A_0] : memref<400x128xf32, #tpu.memory_space<vmem>>, vector<400x128xf32>
    %get3A_2 = arith.constant 0 : index
    %get3A_3 = arith.constant 0 : index
    %get3A_4 = vector.load %arg2[%get3A_2, %get3A_3] : memref<128x256xf32, #tpu.memory_space<vmem>>, vector<128x256xf32>
    %dot_general3A = arith.constant dense<0.000000e+00> : vector<400x256xf32>
    %dot_general3A_5 = tpu.matmul %get3A_1, %get3A_4, %dot_general3A {dimension_numbers = #tpu.dot_dimension_numbers<[1], [0], [0], [1], [0, 0, 1, 1], [], []>, transpose_lhs_hint = false} : vector<400x128xf32>, vector<128x256xf32>, vector<400x256xf32> -> vector<400x256xf32>
    %get3A_6 = arith.constant 0 : index
    %get3A_7 = arith.constant 0 : index
    %get3A_8 = vector.load %arg3[%get3A_6, %get3A_7] : memref<128x256xf32, #tpu.memory_space<vmem>>, vector<128x256xf32>
    %dot_general3A_9 = arith.constant dense<0.000000e+00> : vector<400x256xf32>
    %dot_general3A_10 = tpu.matmul %get3A_1, %get3A_8, %dot_general3A_9 {dimension_numbers = #tpu.dot_dimension_numbers<[1], [0], [0], [1], [0, 0, 1, 1], [], []>, transpose_lhs_hint = false} : vector<400x128xf32>, vector<128x256xf32>, vector<400x256xf32> -> vector<400x256xf32>
    %swap3A = arith.constant 0 : index
    %swap3A_11 = arith.constant 0 : index
    %swap3A_12 = vector.load %arg11[%swap3A, %swap3A_11] : memref<400x256xf32, #tpu.memory_space<vmem>>, vector<400x256xf32>
    tpu.vector_store %arg11[%swap3A, %swap3A_11], %dot_general3A_10 {strides = array<i32>} : memref<400x256xf32, #tpu.memory_space<vmem>>, vector<400x256xf32>,
    %get3A_13 = arith.constant 0 : index
    %get3A_14 = arith.constant 0 : index
    %get3A_15 = vector.load %arg4[%get3A_13, %get3A_14] : memref<128x128xf32, #tpu.memory_space<vmem>>, vector<128x128xf32>
    %dot_general3A_16 = arith.constant dense<0.000000e+00> : vector<400x128xf32>
    %dot_general3A_17 = tpu.matmul %get3A_1, %get3A_15, %dot_general3A_16 {dimension_numbers = #tpu.dot_dimension_numbers<[1], [0], [0], [1], [0, 0, 1, 1], [], []>, transpose_lhs_hint = false} : vector<400x128xf32>, vector<128x128xf32>, vector<400x128xf32> -> vector<400x128xf32>
    %get3A_18 = arith.constant 0 : index
    %get3A_19 = arith.constant 0 : index
    %get3A_20 = vector.load %arg5[%get3A_18, %get3A_19] : memref<1x128xf32, #tpu.memory_space<vmem>>, vector<1x128xf32>
    %add3A = vector.broadcast %get3A_20 : vector<1x128xf32> to vector<400x128xf32>
    %add3A_21 = arith.addf %dot_general3A_17, %add3A : vector<400x128xf32>
    %reduce_sum3A = arith.constant dense<0.000000e+00> : vector<400xf32>
    %reduce_sum3A_22 = vector.multi_reduction <add>, %add3A_21, %reduce_sum3A [1] : vector<400x128xf32> to vector<400xf32>
    %broadcast_in_dim3A = vector.shape_cast %reduce_sum3A_22 : vector<400xf32> to vector<400x1xf32>
    %div3A = arith.constant 1.280000e+02 : f32
    %div3A_23 = vector.broadcast %div3A : f32 to vector<400x1xf32>
    %div3A_24 = arith.divf %broadcast_in_dim3A, %div3A_23 : vector<400x1xf32>
    %sub3A = vector.broadcast %div3A_24 : vector<400x1xf32> to vector<400x128xf32>
    %sub3A_25 = arith.subf %add3A_21, %sub3A : vector<400x128xf32>
    %integer_pow3A = arith.mulf %sub3A_25, %sub3A_25 : vector<400x128xf32>
    %reduce_sum3A_26 = arith.constant dense<0.000000e+00> : vector<400xf32>
    %reduce_sum3A_27 = vector.multi_reduction <add>, %integer_pow3A, %reduce_sum3A_26 [1] : vector<400x128xf32> to vector<400xf32>
    %broadcast_in_dim3A_28 = vector.shape_cast %reduce_sum3A_27 : vector<400xf32> to vector<400x1xf32>
    %div3A_29 = arith.constant 1.280000e+02 : f32
    %div3A_30 = vector.broadcast %div3A_29 : f32 to vector<400x1xf32>
    %div3A_31 = arith.divf %broadcast_in_dim3A_28, %div3A_30 : vector<400x1xf32>
    %sub3A_32 = vector.broadcast %div3A_24 : vector<400x1xf32> to vector<400x128xf32>
    %sub3A_33 = arith.subf %add3A_21, %sub3A_32 : vector<400x128xf32>
    %add3A_34 = arith.constant 9.99999974E-6 : f32
    %add3A_35 = vector.broadcast %add3A_34 : f32 to vector<400x1xf32>
    %add3A_36 = arith.addf %div3A_31, %add3A_35 : vector<400x1xf32>
    %rsqrt3A = math.rsqrt %add3A_36 : vector<400x1xf32>
    %mul3A = vector.broadcast %rsqrt3A : vector<400x1xf32> to vector<400x128xf32>
    %mul3A_37 = arith.mulf %sub3A_33, %mul3A : vector<400x128xf32>
    %get3A_38 = arith.constant 0 : index
    %get3A_39 = arith.constant 0 : index
    %get3A_40 = vector.load %arg6[%get3A_38, %get3A_39] : memref<1x128xf32, #tpu.memory_space<vmem>>, vector<1x128xf32>
    %mul3A_41 = vector.broadcast %get3A_40 : vector<1x128xf32> to vector<400x128xf32>
    %mul3A_42 = arith.mulf %mul3A_37, %mul3A_41 : vector<400x128xf32>
    %get3A_43 = arith.constant 0 : index
    %get3A_44 = arith.constant 0 : index
    %get3A_45 = vector.load %arg7[%get3A_43, %get3A_44] : memref<1x128xf32, #tpu.memory_space<vmem>>, vector<1x128xf32>
    %add3A_46 = vector.broadcast %get3A_45 : vector<1x128xf32> to vector<400x128xf32>
    %add3A_47 = arith.addf %mul3A_42, %add3A_46 : vector<400x128xf32>
    %max3A = arith.constant 0.000000e+00 : f32
    %max3A_48 = vector.broadcast %max3A : f32 to vector<400x128xf32>
    %max3A_49 = arith.maximumf %add3A_47, %max3A_48 : vector<400x128xf32>
    %get3A_50 = arith.constant 0 : index
    %get3A_51 = arith.constant 0 : index
    %get3A_52 = vector.load %arg8[%get3A_50, %get3A_51] : memref<128x128xf32, #tpu.memory_space<vmem>>, vector<128x128xf32>
    %dot_general3A_53 = arith.constant dense<0.000000e+00> : vector<400x128xf32>
    %dot_general3A_54 = tpu.matmul %max3A_49, %get3A_52, %dot_general3A_53 {dimension_numbers = #tpu.dot_dimension_numbers<[1], [0], [0], [1], [0, 0, 1, 1], [], []>, transpose_lhs_hint = false} : vector<400x128xf32>, vector<128x128xf32>, vector<400x128xf32> -> vector<400x128xf32>
    %get3A_55 = arith.constant 0 : index
    %get3A_56 = arith.constant 0 : index
    %get3A_57 = vector.load %arg9[%get3A_55, %get3A_56] : memref<1x128xf32, #tpu.memory_space<vmem>>, vector<1x128xf32>
    %add3A_58 = vector.broadcast %get3A_57 : vector<1x128xf32> to vector<400x128xf32>
    %add3A_59 = arith.addf %dot_general3A_54, %add3A_58 : vector<400x128xf32>
    %concatenate3A = tpu.concatenate %dot_general3A_5, %add3A_59 in 1 : vector<400x256xf32>, vector<400x128xf32> -> vector<400x384xf32>
    %swap3A_60 = arith.constant 0 : index
    %swap3A_61 = arith.constant 0 : index
    %swap3A_62 = vector.load %arg10[%swap3A_60, %swap3A_61] : memref<400x384xf32, #tpu.memory_space<vmem>>, vector<400x384xf32>
    tpu.vector_store %arg10[%swap3A_60, %swap3A_61], %concatenate3A {strides = array<i32>} : memref<400x384xf32, #tpu.memory_space<vmem>>, vector<400x384xf32>,
    return
  }
  func.func @transform_0(%arg0: i32) -> (i32, i32) {
    %c0_i32 = arith.constant 0 : i32
    %c0_i32_0 = arith.constant 0 : i32
    return %arg0, %c0_i32 : i32, i32
  }
  func.func @transform_1(%arg0: i32) -> (i32, i32) {
    %c0_i32 = arith.constant 0 : i32
    %c0_i32_0 = arith.constant 0 : i32
    %c0_i32_1 = arith.constant 0 : i32
    return %c0_i32, %c0_i32_0 : i32, i32
  }
  func.func @transform_2(%arg0: i32) -> (i32, i32) {
    %c0_i32 = arith.constant 0 : i32
    %c0_i32_0 = arith.constant 0 : i32
    %c0_i32_1 = arith.constant 0 : i32
    return %c0_i32, %c0_i32_0 : i32, i32
  }
  func.func @transform_3(%arg0: i32) -> (i32, i32) {
    %c0_i32 = arith.constant 0 : i32
    %c0_i32_0 = arith.constant 0 : i32
    %c0_i32_1 = arith.constant 0 : i32
    return %c0_i32, %c0_i32_0 : i32, i32
  }
  func.func @transform_4(%arg0: i32) -> (i32, i32) {
    %c0_i32 = arith.constant 0 : i32
    %c0_i32_0 = arith.constant 0 : i32
    %c0_i32_1 = arith.constant 0 : i32
    return %c0_i32, %c0_i32_0 : i32, i32
  }
  func.func @transform_5(%arg0: i32) -> (i32, i32) {
    %c0_i32 = arith.constant 0 : i32
    %c0_i32_0 = arith.constant 0 : i32
    %c0_i32_1 = arith.constant 0 : i32
    return %c0_i32, %c0_i32_0 : i32, i32
  }
  func.func @transform_6(%arg0: i32) -> (i32, i32) {
    %c0_i32 = arith.constant 0 : i32
    %c0_i32_0 = arith.constant 0 : i32
    %c0_i32_1 = arith.constant 0 : i32
    return %c0_i32, %c0_i32_0 : i32, i32
  }
  func.func @transform_7(%arg0: i32) -> (i32, i32) {
    %c0_i32 = arith.constant 0 : i32
    %c0_i32_0 = arith.constant 0 : i32
    %c0_i32_1 = arith.constant 0 : i32
    return %c0_i32, %c0_i32_0 : i32, i32
  }
  func.func @transform_8(%arg0: i32) -> (i32, i32) {
    %c0_i32 = arith.constant 0 : i32
    %c0_i32_0 = arith.constant 0 : i32
    %c0_i32_1 = arith.constant 0 : i32
    return %c0_i32, %c0_i32_0 : i32, i32
  }
  func.func @transform_9(%arg0: i32) -> (i32, i32) {
    %c0_i32 = arith.constant 0 : i32
    %c0_i32_0 = arith.constant 0 : i32
    return %arg0, %c0_i32 : i32, i32
  }
  func.func @transform_10(%arg0: i32) -> (i32, i32) {
    %c0_i32 = arith.constant 0 : i32
    %c0_i32_0 = arith.constant 0 : i32
    return %arg0, %c0_i32 : i32, i32
  }
}

module attributes {stable_mosaic.version = 14 : i64} {
  func.func @_comb_body(%arg0: i32, %arg1: memref<1x400x128xf32, #tpu.memory_space<vmem>>, %arg2: memref<1x400x128xf32, #tpu.memory_space<vmem>>, %arg3: memref<48x3xf32, #tpu.memory_space<vmem>>, %arg4: memref<400x3xf32, #tpu.memory_space<vmem>>) attributes {dimension_semantics = [#tpu.dimension_semantics<arbitrary>], iteration_bounds = array<i64: 25>, scalar_prefetch = 0 : i64, scratch_operands = 0 : i64, tpu.core_type = #tpu.core_type<tc>, window_params = [{transform_indices = @transform_0, window_bounds = array<i64: 1, 400, 128>}, {transform_indices = @transform_1, window_bounds = array<i64: 1, 400, 128>}, {pipeline_mode = #tpu.pipeline_mode<synchronous>, transform_indices = @transform_2, window_bounds = array<i64: 48, 3>}, {transform_indices = @transform_3, window_bounds = array<i64: 400, 3>}]} {
    %get3A = arith.constant 0 : index
    %get3A_0 = arith.constant 0 : index
    %get3A_1 = arith.constant 0 : index
    %get3A_2 = vector.load %arg1[%get3A, %get3A_0, %get3A_1] : memref<1x400x128xf32, #tpu.memory_space<vmem>>, vector<1x400x128xf32>
    %get3A_3 = arith.constant 0 : index
    %get3A_4 = arith.constant 0 : index
    %get3A_5 = arith.constant 0 : index
    %get3A_6 = vector.load %arg2[%get3A_3, %get3A_4, %get3A_5] : memref<1x400x128xf32, #tpu.memory_space<vmem>>, vector<1x400x128xf32>
    %add3A = arith.addf %get3A_2, %get3A_6 : vector<1x400x128xf32>
    %reshape3A = vector.shape_cast %add3A : vector<1x400x128xf32> to vector<400x128xf32>
    %slice3A = vector.extract_strided_slice %reshape3A {offsets = [0, 0], sizes = [400, 16], strides = [1, 1]} : vector<400x128xf32> to vector<400x16xf32>
    %add3A_7 = arith.constant 1.000000e-16 : f32
    %add3A_8 = vector.broadcast %add3A_7 : f32 to vector<400x16xf32>
    %add3A_9 = arith.addf %slice3A, %add3A_8 : vector<400x16xf32>
    %slice3A_10 = vector.extract_strided_slice %reshape3A {offsets = [0, 16], sizes = [400, 48], strides = [1, 1]} : vector<400x128xf32> to vector<400x48xf32>
    %concatenate3A = tpu.concatenate %add3A_9, %add3A_9, %add3A_9 in 1 : vector<400x16xf32>, vector<400x16xf32>, vector<400x16xf32> -> vector<400x48xf32>
    %div3A = arith.divf %slice3A_10, %concatenate3A : vector<400x48xf32>
    %get3A_11 = arith.constant 0 : index
    %get3A_12 = arith.constant 0 : index
    %get3A_13 = vector.load %arg3[%get3A_11, %get3A_12] : memref<48x3xf32, #tpu.memory_space<vmem>>, vector<48x3xf32>
    %dot_general3A = arith.constant dense<0.000000e+00> : vector<400x3xf32>
    %dot_general3A_14 = tpu.matmul %div3A, %get3A_13, %dot_general3A {dimension_numbers = #tpu.dot_dimension_numbers<[1], [0], [0], [1], [0, 0, 1, 1], [], []>, transpose_lhs_hint = false} : vector<400x48xf32>, vector<48x3xf32>, vector<400x3xf32> -> vector<400x3xf32>
    %mul3A = arith.constant 6.250000e-02 : f32
    %mul3A_15 = vector.broadcast %mul3A : f32 to vector<400x3xf32>
    %mul3A_16 = arith.mulf %dot_general3A_14, %mul3A_15 : vector<400x3xf32>
    %swap3A = arith.constant 0 : index
    %swap3A_17 = arith.constant 0 : index
    %swap3A_18 = vector.load %arg4[%swap3A, %swap3A_17] : memref<400x3xf32, #tpu.memory_space<vmem>>, vector<400x3xf32>
    tpu.vector_store %arg4[%swap3A, %swap3A_17], %mul3A_16 {strides = array<i32>} : memref<400x3xf32, #tpu.memory_space<vmem>>, vector<400x3xf32>,
    return
  }
  func.func @transform_0(%arg0: i32) -> (i32, i32, i32) {
    %c0_i32 = arith.constant 0 : i32
    %c0_i32_0 = arith.constant 0 : i32
    %c0_i32_1 = arith.constant 0 : i32
    return %c0_i32, %arg0, %c0_i32_0 : i32, i32, i32
  }
  func.func @transform_1(%arg0: i32) -> (i32, i32, i32) {
    %c1_i32 = arith.constant 1 : i32
    %c0_i32 = arith.constant 0 : i32
    %c0_i32_0 = arith.constant 0 : i32
    return %c1_i32, %arg0, %c0_i32 : i32, i32, i32
  }
  func.func @transform_2(%arg0: i32) -> (i32, i32) {
    %c0_i32 = arith.constant 0 : i32
    %c0_i32_0 = arith.constant 0 : i32
    %c0_i32_1 = arith.constant 0 : i32
    return %c0_i32, %c0_i32_0 : i32, i32
  }
  func.func @transform_3(%arg0: i32) -> (i32, i32) {
    %c0_i32 = arith.constant 0 : i32
    %c0_i32_0 = arith.constant 0 : i32
    return %arg0, %c0_i32 : i32, i32
  }
}

module attributes {stable_mosaic.version = 14 : i64} {
  func.func @_edge_body(%arg0: i32, %arg1: memref<512x256xf32, #tpu.memory_space<vmem>>, %arg2: memref<512x128xf32, #tpu.memory_space<vmem>>, %arg3: memref<512x16xf32, #tpu.memory_space<vmem>>, %arg4: memref<512x4xf32, #tpu.memory_space<vmem>>, %arg5: memref<512x3xf32, #tpu.memory_space<vmem>>, %arg6: memref<4x256xf32, #tpu.memory_space<vmem>>, %arg7: memref<16x256xf32, #tpu.memory_space<vmem>>, %arg8: memref<1x256xf32, #tpu.memory_space<vmem>>, %arg9: memref<1x256xf32, #tpu.memory_space<vmem>>, %arg10: memref<1x256xf32, #tpu.memory_space<vmem>>, %arg11: memref<128x128xf32, #tpu.memory_space<vmem>>, %arg12: memref<1x128xf32, #tpu.memory_space<vmem>>, %arg13: memref<128x16xf32, #tpu.memory_space<vmem>>, %arg14: memref<1x16xf32, #tpu.memory_space<vmem>>, %arg15: memref<16x1xf32, #tpu.memory_space<vmem>>, %arg16: memref<1x1xf32, #tpu.memory_space<vmem>>, %arg17: memref<128x16xf32, #tpu.memory_space<vmem>>, %arg18: memref<512x128xf32, #tpu.memory_space<vmem>>, %arg19: memref<1x16xf32, #tpu.memory_space<vmem>>) attributes {dimension_semantics = [#tpu.dimension_semantics<arbitrary>], iteration_bounds = array<i64: 625>, scalar_prefetch = 0 : i64, scratch_operands = 0 : i64, tpu.core_type = #tpu.core_type<tc>, window_params = [{transform_indices = @transform_0, window_bounds = array<i64: 512, 256>}, {transform_indices = @transform_1, window_bounds = array<i64: 512, 128>}, {transform_indices = @transform_2, window_bounds = array<i64: 512, 16>}, {transform_indices = @transform_3, window_bounds = array<i64: 512, 4>}, {transform_indices = @transform_4, window_bounds = array<i64: 512, 3>}, {pipeline_mode = #tpu.pipeline_mode<synchronous>, transform_indices = @transform_5, window_bounds = array<i64: 4, 256>}, {pipeline_mode = #tpu.pipeline_mode<synchronous>, transform_indices = @transform_6, window_bounds = array<i64: 16, 256>}, {pipeline_mode = #tpu.pipeline_mode<synchronous>, transform_indices = @transform_7, window_bounds = array<i64: 1, 256>}, {pipeline_mode = #tpu.pipeline_mode<synchronous>, transform_indices = @transform_8, window_bounds = array<i64: 1, 256>}, {pipeline_mode = #tpu.pipeline_mode<synchronous>, transform_indices = @transform_9, window_bounds = array<i64: 1, 256>}, {pipeline_mode = #tpu.pipeline_mode<synchronous>, transform_indices = @transform_10, window_bounds = array<i64: 128, 128>}, {pipeline_mode = #tpu.pipeline_mode<synchronous>, transform_indices = @transform_11, window_bounds = array<i64: 1, 128>}, {pipeline_mode = #tpu.pipeline_mode<synchronous>, transform_indices = @transform_12, window_bounds = array<i64: 128, 16>}, {pipeline_mode = #tpu.pipeline_mode<synchronous>, transform_indices = @transform_13, window_bounds = array<i64: 1, 16>}, {pipeline_mode = #tpu.pipeline_mode<synchronous>, transform_indices = @transform_14, window_bounds = array<i64: 16, 1>}, {pipeline_mode = #tpu.pipeline_mode<synchronous>, transform_indices = @transform_15, window_bounds = array<i64: 1, 1>}, {pipeline_mode = #tpu.pipeline_mode<synchronous>, transform_indices = @transform_16, window_bounds = array<i64: 128, 16>}, {transform_indices = @transform_17, window_bounds = array<i64: 512, 128>}, {pipeline_mode = #tpu.pipeline_mode<synchronous>, transform_indices = @transform_18, window_bounds = array<i64: 1, 16>}]} {
    %get3A = arith.constant 0 : index
    %get3A_0 = arith.constant 0 : index
    %get3A_1 = vector.load %arg1[%get3A, %get3A_0] : memref<512x256xf32, #tpu.memory_space<vmem>>, vector<512x256xf32>
    %slice3A = vector.extract_strided_slice %get3A_1 {offsets = [0, 0], sizes = [512, 128], strides = [1, 1]} : vector<512x256xf32> to vector<512x128xf32>
    %bitcast_convert_type3A = tpu.bitcast %slice3A : vector<512x128xf32> -> vector<512x128xi32>
    %shift_left3A = arith.constant 16 : i32
    %shift_left3A_2 = vector.broadcast %shift_left3A : i32 to vector<512x128xi32>
    %shift_left3A_3 = arith.shli %bitcast_convert_type3A, %shift_left3A_2 : vector<512x128xi32>
    %bitcast_convert_type3A_4 = tpu.bitcast %shift_left3A_3 : vector<512x128xi32> -> vector<512x128xf32>
    %and3A = arith.constant -65536 : i32
    %and3A_5 = vector.broadcast %and3A : i32 to vector<512x128xi32>
    %and3A_6 = arith.andi %bitcast_convert_type3A, %and3A_5 : vector<512x128xi32>
    %bitcast_convert_type3A_7 = tpu.bitcast %and3A_6 : vector<512x128xi32> -> vector<512x128xf32>
    %concatenate3A = tpu.concatenate %bitcast_convert_type3A_4, %bitcast_convert_type3A_7 in 1 : vector<512x128xf32>, vector<512x128xf32> -> vector<512x256xf32>
    %get3A_8 = arith.constant 0 : index
    %get3A_9 = arith.constant 0 : index
    %get3A_10 = vector.load %arg2[%get3A_8, %get3A_9] : memref<512x128xf32, #tpu.memory_space<vmem>>, vector<512x128xf32>
    %bitcast_convert_type3A_11 = tpu.bitcast %get3A_10 : vector<512x128xf32> -> vector<512x128xi32>
    %shift_left3A_12 = arith.constant 16 : i32
    %shift_left3A_13 = vector.broadcast %shift_left3A_12 : i32 to vector<512x128xi32>
    %shift_left3A_14 = arith.shli %bitcast_convert_type3A_11, %shift_left3A_13 : vector<512x128xi32>
    %bitcast_convert_type3A_15 = tpu.bitcast %shift_left3A_14 : vector<512x128xi32> -> vector<512x128xf32>
    %and3A_16 = arith.constant -65536 : i32
    %and3A_17 = vector.broadcast %and3A_16 : i32 to vector<512x128xi32>
    %and3A_18 = arith.andi %bitcast_convert_type3A_11, %and3A_17 : vector<512x128xi32>
    %bitcast_convert_type3A_19 = tpu.bitcast %and3A_18 : vector<512x128xi32> -> vector<512x128xf32>
    %concatenate3A_20 = tpu.concatenate %bitcast_convert_type3A_15, %bitcast_convert_type3A_19 in 1 : vector<512x128xf32>, vector<512x128xf32> -> vector<512x256xf32>
    %get3A_21 = arith.constant 0 : index
    %get3A_22 = arith.constant 0 : index
    %get3A_23 = vector.load %arg3[%get3A_21, %get3A_22] : memref<512x16xf32, #tpu.memory_space<vmem>>, vector<512x16xf32>
    %add3A = arith.addf %concatenate3A, %concatenate3A_20 : vector<512x256xf32>
    %get3A_24 = arith.constant 0 : index
    %get3A_25 = arith.constant 0 : index
    %get3A_26 = vector.load %arg4[%get3A_24, %get3A_25] : memref<512x4xf32, #tpu.memory_space<vmem>>, vector<512x4xf32>
    %get3A_27 = arith.constant 0 : index
    %get3A_28 = arith.constant 0 : index
    %get3A_29 = vector.load %arg6[%get3A_27, %get3A_28] : memref<4x256xf32, #tpu.memory_space<vmem>>, vector<4x256xf32>
    %dot_general3A = arith.constant dense<0.000000e+00> : vector<512x256xf32>
    %dot_general3A_30 = tpu.matmul %get3A_26, %get3A_29, %dot_general3A {dimension_numbers = #tpu.dot_dimension_numbers<[1], [0], [0], [1], [0, 0, 1, 1], [], []>, transpose_lhs_hint = false} : vector<512x4xf32>, vector<4x256xf32>, vector<512x256xf32> -> vector<512x256xf32>
    %add3A_31 = arith.addf %add3A, %dot_general3A_30 : vector<512x256xf32>
    %get3A_32 = arith.constant 0 : index
    %get3A_33 = arith.constant 0 : index
    %get3A_34 = vector.load %arg7[%get3A_32, %get3A_33] : memref<16x256xf32, #tpu.memory_space<vmem>>, vector<16x256xf32>
    %dot_general3A_35 = arith.constant dense<0.000000e+00> : vector<512x256xf32>
    %dot_general3A_36 = tpu.matmul %get3A_23, %get3A_34, %dot_general3A_35 {dimension_numbers = #tpu.dot_dimension_numbers<[1], [0], [0], [1], [0, 0, 1, 1], [], []>, transpose_lhs_hint = false} : vector<512x16xf32>, vector<16x256xf32>, vector<512x256xf32> -> vector<512x256xf32>
    %add3A_37 = arith.addf %add3A_31, %dot_general3A_36 : vector<512x256xf32>
    %get3A_38 = arith.constant 0 : index
    %get3A_39 = arith.constant 0 : index
    %get3A_40 = vector.load %arg8[%get3A_38, %get3A_39] : memref<1x256xf32, #tpu.memory_space<vmem>>, vector<1x256xf32>
    %add3A_41 = vector.broadcast %get3A_40 : vector<1x256xf32> to vector<512x256xf32>
    %add3A_42 = arith.addf %add3A_37, %add3A_41 : vector<512x256xf32>
    %slice3A_43 = vector.extract_strided_slice %add3A_42 {offsets = [0, 0], sizes = [512, 128], strides = [1, 1]} : vector<512x256xf32> to vector<512x128xf32>
    %get3A_44 = arith.constant 0 : index
    %get3A_45 = arith.constant 0 : index
    %get3A_46 = vector.load %arg9[%get3A_44, %get3A_45] : memref<1x256xf32, #tpu.memory_space<vmem>>, vector<1x256xf32>
    %slice3A_47 = vector.extract_strided_slice %get3A_46 {offsets = [0, 0], sizes = [1, 128], strides = [1, 1]} : vector<1x256xf32> to vector<1x128xf32>
    %get3A_48 = arith.constant 0 : index
    %get3A_49 = arith.constant 0 : index
    %get3A_50 = vector.load %arg10[%get3A_48, %get3A_49] : memref<1x256xf32, #tpu.memory_space<vmem>>, vector<1x256xf32>
    %slice3A_51 = vector.extract_strided_slice %get3A_50 {offsets = [0, 0], sizes = [1, 128], strides = [1, 1]} : vector<1x256xf32> to vector<1x128xf32>
    %reduce_sum3A = arith.constant dense<0.000000e+00> : vector<512xf32>
    %reduce_sum3A_52 = vector.multi_reduction <add>, %slice3A_43, %reduce_sum3A [1] : vector<512x128xf32> to vector<512xf32>
    %broadcast_in_dim3A = vector.shape_cast %reduce_sum3A_52 : vector<512xf32> to vector<512x1xf32>
    %div3A = arith.constant 1.280000e+02 : f32
    %div3A_53 = vector.broadcast %div3A : f32 to vector<512x1xf32>
    %div3A_54 = arith.divf %broadcast_in_dim3A, %div3A_53 : vector<512x1xf32>
    %sub3A = vector.broadcast %div3A_54 : vector<512x1xf32> to vector<512x128xf32>
    %sub3A_55 = arith.subf %slice3A_43, %sub3A : vector<512x128xf32>
    %integer_pow3A = arith.mulf %sub3A_55, %sub3A_55 : vector<512x128xf32>
    %reduce_sum3A_56 = arith.constant dense<0.000000e+00> : vector<512xf32>
    %reduce_sum3A_57 = vector.multi_reduction <add>, %integer_pow3A, %reduce_sum3A_56 [1] : vector<512x128xf32> to vector<512xf32>
    %broadcast_in_dim3A_58 = vector.shape_cast %reduce_sum3A_57 : vector<512xf32> to vector<512x1xf32>
    %div3A_59 = arith.constant 1.280000e+02 : f32
    %div3A_60 = vector.broadcast %div3A_59 : f32 to vector<512x1xf32>
    %div3A_61 = arith.divf %broadcast_in_dim3A_58, %div3A_60 : vector<512x1xf32>
    %sub3A_62 = vector.broadcast %div3A_54 : vector<512x1xf32> to vector<512x128xf32>
    %sub3A_63 = arith.subf %slice3A_43, %sub3A_62 : vector<512x128xf32>
    %add3A_64 = arith.constant 9.99999974E-6 : f32
    %add3A_65 = vector.broadcast %add3A_64 : f32 to vector<512x1xf32>
    %add3A_66 = arith.addf %div3A_61, %add3A_65 : vector<512x1xf32>
    %rsqrt3A = math.rsqrt %add3A_66 : vector<512x1xf32>
    %mul3A = vector.broadcast %rsqrt3A : vector<512x1xf32> to vector<512x128xf32>
    %mul3A_67 = arith.mulf %sub3A_63, %mul3A : vector<512x128xf32>
    %mul3A_68 = vector.broadcast %slice3A_47 : vector<1x128xf32> to vector<512x128xf32>
    %mul3A_69 = arith.mulf %mul3A_67, %mul3A_68 : vector<512x128xf32>
    %add3A_70 = vector.broadcast %slice3A_51 : vector<1x128xf32> to vector<512x128xf32>
    %add3A_71 = arith.addf %mul3A_69, %add3A_70 : vector<512x128xf32>
    %max3A = arith.constant 0.000000e+00 : f32
    %max3A_72 = vector.broadcast %max3A : f32 to vector<512x128xf32>
    %max3A_73 = arith.maximumf %add3A_71, %max3A_72 : vector<512x128xf32>
    %slice3A_74 = vector.extract_strided_slice %add3A_42 {offsets = [0, 128], sizes = [512, 128], strides = [1, 1]} : vector<512x256xf32> to vector<512x128xf32>
    %get3A_75 = arith.constant 0 : index
    %get3A_76 = arith.constant 0 : index
    %get3A_77 = vector.load %arg9[%get3A_75, %get3A_76] : memref<1x256xf32, #tpu.memory_space<vmem>>, vector<1x256xf32>
    %slice3A_78 = vector.extract_strided_slice %get3A_77 {offsets = [0, 128], sizes = [1, 128], strides = [1, 1]} : vector<1x256xf32> to vector<1x128xf32>
    %get3A_79 = arith.constant 0 : index
    %get3A_80 = arith.constant 0 : index
    %get3A_81 = vector.load %arg10[%get3A_79, %get3A_80] : memref<1x256xf32, #tpu.memory_space<vmem>>, vector<1x256xf32>
    %slice3A_82 = vector.extract_strided_slice %get3A_81 {offsets = [0, 128], sizes = [1, 128], strides = [1, 1]} : vector<1x256xf32> to vector<1x128xf32>
    %reduce_sum3A_83 = arith.constant dense<0.000000e+00> : vector<512xf32>
    %reduce_sum3A_84 = vector.multi_reduction <add>, %slice3A_74, %reduce_sum3A_83 [1] : vector<512x128xf32> to vector<512xf32>
    %broadcast_in_dim3A_85 = vector.shape_cast %reduce_sum3A_84 : vector<512xf32> to vector<512x1xf32>
    %div3A_86 = arith.constant 1.280000e+02 : f32
    %div3A_87 = vector.broadcast %div3A_86 : f32 to vector<512x1xf32>
    %div3A_88 = arith.divf %broadcast_in_dim3A_85, %div3A_87 : vector<512x1xf32>
    %sub3A_89 = vector.broadcast %div3A_88 : vector<512x1xf32> to vector<512x128xf32>
    %sub3A_90 = arith.subf %slice3A_74, %sub3A_89 : vector<512x128xf32>
    %integer_pow3A_91 = arith.mulf %sub3A_90, %sub3A_90 : vector<512x128xf32>
    %reduce_sum3A_92 = arith.constant dense<0.000000e+00> : vector<512xf32>
    %reduce_sum3A_93 = vector.multi_reduction <add>, %integer_pow3A_91, %reduce_sum3A_92 [1] : vector<512x128xf32> to vector<512xf32>
    %broadcast_in_dim3A_94 = vector.shape_cast %reduce_sum3A_93 : vector<512xf32> to vector<512x1xf32>
    %div3A_95 = arith.constant 1.280000e+02 : f32
    %div3A_96 = vector.broadcast %div3A_95 : f32 to vector<512x1xf32>
    %div3A_97 = arith.divf %broadcast_in_dim3A_94, %div3A_96 : vector<512x1xf32>
    %sub3A_98 = vector.broadcast %div3A_88 : vector<512x1xf32> to vector<512x128xf32>
    %sub3A_99 = arith.subf %slice3A_74, %sub3A_98 : vector<512x128xf32>
    %add3A_100 = arith.constant 9.99999974E-6 : f32
    %add3A_101 = vector.broadcast %add3A_100 : f32 to vector<512x1xf32>
    %add3A_102 = arith.addf %div3A_97, %add3A_101 : vector<512x1xf32>
    %rsqrt3A_103 = math.rsqrt %add3A_102 : vector<512x1xf32>
    %mul3A_104 = vector.broadcast %rsqrt3A_103 : vector<512x1xf32> to vector<512x128xf32>
    %mul3A_105 = arith.mulf %sub3A_99, %mul3A_104 : vector<512x128xf32>
    %mul3A_106 = vector.broadcast %slice3A_78 : vector<1x128xf32> to vector<512x128xf32>
    %mul3A_107 = arith.mulf %mul3A_105, %mul3A_106 : vector<512x128xf32>
    %add3A_108 = vector.broadcast %slice3A_82 : vector<1x128xf32> to vector<512x128xf32>
    %add3A_109 = arith.addf %mul3A_107, %add3A_108 : vector<512x128xf32>
    %max3A_110 = arith.constant 0.000000e+00 : f32
    %max3A_111 = vector.broadcast %max3A_110 : f32 to vector<512x128xf32>
    %max3A_112 = arith.maximumf %add3A_109, %max3A_111 : vector<512x128xf32>
    %get3A_113 = arith.constant 0 : index
    %get3A_114 = arith.constant 0 : index
    %get3A_115 = vector.load %arg11[%get3A_113, %get3A_114] : memref<128x128xf32, #tpu.memory_space<vmem>>, vector<128x128xf32>
    %dot_general3A_116 = arith.constant dense<0.000000e+00> : vector<512x128xf32>
    %dot_general3A_117 = tpu.matmul %max3A_73, %get3A_115, %dot_general3A_116 {dimension_numbers = #tpu.dot_dimension_numbers<[1], [0], [0], [1], [0, 0, 1, 1], [], []>, transpose_lhs_hint = false} : vector<512x128xf32>, vector<128x128xf32>, vector<512x128xf32> -> vector<512x128xf32>
    %get3A_118 = arith.constant 0 : index
    %get3A_119 = arith.constant 0 : index
    %get3A_120 = vector.load %arg12[%get3A_118, %get3A_119] : memref<1x128xf32, #tpu.memory_space<vmem>>, vector<1x128xf32>
    %add3A_121 = vector.broadcast %get3A_120 : vector<1x128xf32> to vector<512x128xf32>
    %add3A_122 = arith.addf %dot_general3A_117, %add3A_121 : vector<512x128xf32>
    %get3A_123 = arith.constant 0 : index
    %get3A_124 = arith.constant 0 : index
    %get3A_125 = vector.load %arg13[%get3A_123, %get3A_124] : memref<128x16xf32, #tpu.memory_space<vmem>>, vector<128x16xf32>
    %dot_general3A_126 = arith.constant dense<0.000000e+00> : vector<512x16xf32>
    %dot_general3A_127 = tpu.matmul %max3A_112, %get3A_125, %dot_general3A_126 {dimension_numbers = #tpu.dot_dimension_numbers<[1], [0], [0], [1], [0, 0, 1, 1], [], []>, transpose_lhs_hint = false} : vector<512x128xf32>, vector<128x16xf32>, vector<512x16xf32> -> vector<512x16xf32>
    %get3A_128 = arith.constant 0 : index
    %get3A_129 = arith.constant 0 : index
    %get3A_130 = vector.load %arg14[%get3A_128, %get3A_129] : memref<1x16xf32, #tpu.memory_space<vmem>>, vector<1x16xf32>
    %add3A_131 = vector.broadcast %get3A_130 : vector<1x16xf32> to vector<512x16xf32>
    %add3A_132 = arith.addf %dot_general3A_127, %add3A_131 : vector<512x16xf32>
    %get3A_133 = arith.constant 0 : index
    %get3A_134 = arith.constant 0 : index
    %get3A_135 = vector.load %arg15[%get3A_133, %get3A_134] : memref<16x1xf32, #tpu.memory_space<vmem>>, vector<16x1xf32>
    %dot_general3A_136 = arith.constant dense<0.000000e+00> : vector<512x1xf32>
    %dot_general3A_137 = tpu.matmul %get3A_23, %get3A_135, %dot_general3A_136 {dimension_numbers = #tpu.dot_dimension_numbers<[1], [0], [0], [1], [0, 0, 1, 1], [], []>, transpose_lhs_hint = false} : vector<512x16xf32>, vector<16x1xf32>, vector<512x1xf32> -> vector<512x1xf32>
    %get3A_138 = arith.constant 0 : index
    %get3A_139 = arith.constant 0 : index
    %get3A_140 = vector.load %arg16[%get3A_138, %get3A_139] : memref<1x1xf32, #tpu.memory_space<vmem>>, vector<1x1xf32>
    %add3A_141 = vector.broadcast %get3A_140 : vector<1x1xf32> to vector<512x1xf32>
    %add3A_142 = arith.addf %dot_general3A_137, %add3A_141 : vector<512x1xf32>
    %logistic3A = arith.negf %add3A_142 : vector<512x1xf32>
    %logistic3A_143 = math.exp %logistic3A : vector<512x1xf32>
    %logistic3A_144 = arith.constant 1.000000e+00 : f32
    %logistic3A_145 = vector.broadcast %logistic3A_144 : f32 to vector<512x1xf32>
    %logistic3A_146 = arith.addf %logistic3A_145, %logistic3A_143 : vector<512x1xf32>
    %logistic3A_147 = arith.divf %logistic3A_145, %logistic3A_146 : vector<512x1xf32>
    %mul3A_148 = vector.broadcast %logistic3A_147 : vector<512x1xf32> to vector<512x16xf32>
    %mul3A_149 = arith.mulf %add3A_132, %mul3A_148 : vector<512x16xf32>
    %slice3A_150 = vector.extract_strided_slice %get3A_1 {offsets = [0, 128], sizes = [512, 128], strides = [1, 1]} : vector<512x256xf32> to vector<512x128xf32>
    %mul3A_151 = arith.mulf %slice3A_150, %add3A_122 : vector<512x128xf32>
    %sqrt3A = arith.constant 8.000000e+00 : f32
    %sqrt3A_152 = math.sqrt %sqrt3A : f32
    %div3A_153 = arith.constant 1.000000e+00 : f32
    %div3A_154 = arith.divf %div3A_153, %sqrt3A_152 : f32
    %mul3A_155 = vector.broadcast %div3A_154 : f32 to vector<512x128xf32>
    %mul3A_156 = arith.mulf %mul3A_151, %mul3A_155 : vector<512x128xf32>
    %get3A_157 = arith.constant 0 : index
    %get3A_158 = arith.constant 0 : index
    %get3A_159 = vector.load %arg17[%get3A_157, %get3A_158] : memref<128x16xf32, #tpu.memory_space<vmem>>, vector<128x16xf32>
    %dot_general3A_160 = arith.constant dense<0.000000e+00> : vector<512x16xf32>
    %dot_general3A_161 = tpu.matmul %mul3A_156, %get3A_159, %dot_general3A_160 {dimension_numbers = #tpu.dot_dimension_numbers<[1], [0], [0], [1], [0, 0, 1, 1], [], []>, transpose_lhs_hint = false} : vector<512x128xf32>, vector<128x16xf32>, vector<512x16xf32> -> vector<512x16xf32>
    %get3A_162 = arith.constant 0 : index
    %get3A_163 = arith.constant 0 : index
    %get3A_164 = vector.load %arg5[%get3A_162, %get3A_163] : memref<512x3xf32, #tpu.memory_space<vmem>>, vector<512x3xf32>
    %slice3A_165 = vector.extract_strided_slice %get3A_164 {offsets = [0, 0], sizes = [512, 1], strides = [1, 1]} : vector<512x3xf32> to vector<512x1xf32>
    %mul3A_166 = vector.broadcast %slice3A_165 : vector<512x1xf32> to vector<512x16xf32>
    %mul3A_167 = arith.mulf %mul3A_149, %mul3A_166 : vector<512x16xf32>
    %slice3A_168 = vector.extract_strided_slice %get3A_164 {offsets = [0, 1], sizes = [512, 1], strides = [1, 1]} : vector<512x3xf32> to vector<512x1xf32>
    %mul3A_169 = vector.broadcast %slice3A_168 : vector<512x1xf32> to vector<512x16xf32>
    %mul3A_170 = arith.mulf %mul3A_149, %mul3A_169 : vector<512x16xf32>
    %slice3A_171 = vector.extract_strided_slice %get3A_164 {offsets = [0, 2], sizes = [512, 1], strides = [1, 1]} : vector<512x3xf32> to vector<512x1xf32>
    %mul3A_172 = vector.broadcast %slice3A_171 : vector<512x1xf32> to vector<512x16xf32>
    %mul3A_173 = arith.mulf %mul3A_149, %mul3A_172 : vector<512x16xf32>
    %broadcast_in_dim3A_174 = arith.constant 0.000000e+00 : f32
    %broadcast_in_dim3A_175 = vector.broadcast %broadcast_in_dim3A_174 : f32 to vector<512x64xf32>
    %concatenate3A_176 = tpu.concatenate %dot_general3A_161, %mul3A_167, %mul3A_170, %mul3A_173, %broadcast_in_dim3A_175 in 1 : vector<512x16xf32>, vector<512x16xf32>, vector<512x16xf32>, vector<512x16xf32>, vector<512x64xf32> -> vector<512x128xf32>
    %swap3A = arith.constant 0 : index
    %swap3A_177 = arith.constant 0 : index
    %swap3A_178 = vector.load %arg18[%swap3A, %swap3A_177] : memref<512x128xf32, #tpu.memory_space<vmem>>, vector<512x128xf32>
    tpu.vector_store %arg18[%swap3A, %swap3A_177], %concatenate3A_176 {strides = array<i32>} : memref<512x128xf32, #tpu.memory_space<vmem>>, vector<512x128xf32>,
    %reduce_max3A = arith.constant dense<0xFF800000> : vector<16xf32>
    %reduce_max3A_179 = vector.multi_reduction <maximumf>, %dot_general3A_161, %reduce_max3A [0] : vector<512x16xf32> to vector<16xf32>
    %broadcast_in_dim3A_180 = vector.shape_cast %reduce_max3A_179 : vector<16xf32> to vector<1x16xf32>
    %eq3A = arith.constant 0 : i32
    %eq3A_181 = arith.cmpi eq, %arg0, %eq3A : i32
    %convert_element_type3A = arith.extui %eq3A_181 : i1 to i32
    %cond3A = arith.constant 0 : i32
    %cond3A_182 = arith.cmpi ne, %convert_element_type3A, %cond3A : i32
    scf.if %cond3A_182 {
      %swap3A_187 = arith.constant 0 : index
      %swap3A_188 = arith.constant 0 : index
      %swap3A_189 = vector.load %arg19[%swap3A_187, %swap3A_188] : memref<1x16xf32, #tpu.memory_space<vmem>>, vector<1x16xf32>
      tpu.vector_store %arg19[%swap3A_187, %swap3A_188], %broadcast_in_dim3A_180 {strides = array<i32>} : memref<1x16xf32, #tpu.memory_space<vmem>>, vector<1x16xf32>,
    } else {
    }
    %ne3A = arith.constant 0 : i32
    %ne3A_183 = arith.cmpi ne, %arg0, %ne3A : i32
    %convert_element_type3A_184 = arith.extui %ne3A_183 : i1 to i32
    %cond3A_185 = arith.constant 0 : i32
    %cond3A_186 = arith.cmpi ne, %convert_element_type3A_184, %cond3A_185 : i32
    scf.if %cond3A_186 {
      %get3A_187 = arith.constant 0 : index
      %get3A_188 = arith.constant 0 : index
      %get3A_189 = vector.load %arg19[%get3A_187, %get3A_188] : memref<1x16xf32, #tpu.memory_space<vmem>>, vector<1x16xf32>
      %max3A_190 = arith.maximumf %get3A_189, %broadcast_in_dim3A_180 : vector<1x16xf32>
      %swap3A_191 = arith.constant 0 : index
      %swap3A_192 = arith.constant 0 : index
      %swap3A_193 = vector.load %arg19[%swap3A_191, %swap3A_192] : memref<1x16xf32, #tpu.memory_space<vmem>>, vector<1x16xf32>
      tpu.vector_store %arg19[%swap3A_191, %swap3A_192], %max3A_190 {strides = array<i32>} : memref<1x16xf32, #tpu.memory_space<vmem>>, vector<1x16xf32>,
    } else {
    }
    return
  }
  func.func @transform_0(%arg0: i32) -> (i32, i32) {
    %c0_i32 = arith.constant 0 : i32
    %c0_i32_0 = arith.constant 0 : i32
    return %arg0, %c0_i32 : i32, i32
  }
  func.func @transform_1(%arg0: i32) -> (i32, i32) {
    %c0_i32 = arith.constant 0 : i32
    %c0_i32_0 = arith.constant 0 : i32
    return %arg0, %c0_i32 : i32, i32
  }
  func.func @transform_2(%arg0: i32) -> (i32, i32) {
    %c0_i32 = arith.constant 0 : i32
    %c0_i32_0 = arith.constant 0 : i32
    return %arg0, %c0_i32 : i32, i32
  }
  func.func @transform_3(%arg0: i32) -> (i32, i32) {
    %c0_i32 = arith.constant 0 : i32
    %c0_i32_0 = arith.constant 0 : i32
    return %arg0, %c0_i32 : i32, i32
  }
  func.func @transform_4(%arg0: i32) -> (i32, i32) {
    %c0_i32 = arith.constant 0 : i32
    %c0_i32_0 = arith.constant 0 : i32
    return %arg0, %c0_i32 : i32, i32
  }
  func.func @transform_5(%arg0: i32) -> (i32, i32) {
    %c0_i32 = arith.constant 0 : i32
    %c0_i32_0 = arith.constant 0 : i32
    %c0_i32_1 = arith.constant 0 : i32
    return %c0_i32, %c0_i32_0 : i32, i32
  }
  func.func @transform_6(%arg0: i32) -> (i32, i32) {
    %c0_i32 = arith.constant 0 : i32
    %c0_i32_0 = arith.constant 0 : i32
    %c0_i32_1 = arith.constant 0 : i32
    return %c0_i32, %c0_i32_0 : i32, i32
  }
  func.func @transform_7(%arg0: i32) -> (i32, i32) {
    %c0_i32 = arith.constant 0 : i32
    %c0_i32_0 = arith.constant 0 : i32
    %c0_i32_1 = arith.constant 0 : i32
    return %c0_i32, %c0_i32_0 : i32, i32
  }
  func.func @transform_8(%arg0: i32) -> (i32, i32) {
    %c0_i32 = arith.constant 0 : i32
    %c0_i32_0 = arith.constant 0 : i32
    %c0_i32_1 = arith.constant 0 : i32
    return %c0_i32, %c0_i32_0 : i32, i32
  }
  func.func @transform_9(%arg0: i32) -> (i32, i32) {
    %c0_i32 = arith.constant 0 : i32
    %c0_i32_0 = arith.constant 0 : i32
    %c0_i32_1 = arith.constant 0 : i32
    return %c0_i32, %c0_i32_0 : i32, i32
  }
  func.func @transform_10(%arg0: i32) -> (i32, i32) {
    %c0_i32 = arith.constant 0 : i32
    %c0_i32_0 = arith.constant 0 : i32
    %c0_i32_1 = arith.constant 0 : i32
    return %c0_i32, %c0_i32_0 : i32, i32
  }
  func.func @transform_11(%arg0: i32) -> (i32, i32) {
    %c0_i32 = arith.constant 0 : i32
    %c0_i32_0 = arith.constant 0 : i32
    %c0_i32_1 = arith.constant 0 : i32
    return %c0_i32, %c0_i32_0 : i32, i32
  }
  func.func @transform_12(%arg0: i32) -> (i32, i32) {
    %c0_i32 = arith.constant 0 : i32
    %c0_i32_0 = arith.constant 0 : i32
    %c0_i32_1 = arith.constant 0 : i32
    return %c0_i32, %c0_i32_0 : i32, i32
  }
  func.func @transform_13(%arg0: i32) -> (i32, i32) {
    %c0_i32 = arith.constant 0 : i32
    %c0_i32_0 = arith.constant 0 : i32
    %c0_i32_1 = arith.constant 0 : i32
    return %c0_i32, %c0_i32_0 : i32, i32
  }
  func.func @transform_14(%arg0: i32) -> (i32, i32) {
    %c0_i32 = arith.constant 0 : i32
    %c0_i32_0 = arith.constant 0 : i32
    %c0_i32_1 = arith.constant 0 : i32
    return %c0_i32, %c0_i32_0 : i32, i32
  }
  func.func @transform_15(%arg0: i32) -> (i32, i32) {
    %c0_i32 = arith.constant 0 : i32
    %c0_i32_0 = arith.constant 0 : i32
    %c0_i32_1 = arith.constant 0 : i32
    return %c0_i32, %c0_i32_0 : i32, i32
  }
  func.func @transform_16(%arg0: i32) -> (i32, i32) {
    %c0_i32 = arith.constant 0 : i32
    %c0_i32_0 = arith.constant 0 : i32
    %c0_i32_1 = arith.constant 0 : i32
    return %c0_i32, %c0_i32_0 : i32, i32
  }
  func.func @transform_17(%arg0: i32) -> (i32, i32) {
    %c0_i32 = arith.constant 0 : i32
    %c0_i32_0 = arith.constant 0 : i32
    return %arg0, %c0_i32 : i32, i32
  }
  func.func @transform_18(%arg0: i32) -> (i32, i32) {
    %c0_i32 = arith.constant 0 : i32
    %c0_i32_0 = arith.constant 0 : i32
    %c0_i32_1 = arith.constant 0 : i32
    return %c0_i32, %c0_i32_0 : i32, i32
  }
}

</mosaic_0001>

<sc_bundles>
// kernel: kernel.10.cloned.1.call-start
scs
__scs_entry_jumppad:
0x0: {  	(pc) =	sbr.rel $0x88, $3  }
0x1: {  	(tag) =	ssettag $0x0;
	lr =	simm.s32 $0x1  }
0x2: {  	[smem:$0x3F88] =	sst lr;
	_ =	strace $0xD0000000  }
0x3: {  	_ = 	snop  }
0x4: {  	_ = 	snop  }
0x5: {  	_ = 	snop  }
0x6: {  	_ = 	snop  }
0x7: {  	_ = 	snop  }
__scs_overlays_trampoline_lowered:
0x8: {  	[smem:$0x3F97] =	sst s0  }
0x9: {  	[smem:$0x3F98] =	sst s1  }
0xa: {  	[smem:$0x3F99] =	sst s2  }
0xb: {  	[smem:$0x3F9A] =	sst s3  }
0xc: {  	[smem:$0x3F9B] =	sst s4  }
0xd: {  	[smem:$0x3F9C] =	sst s5  }
0xe: {  	[smem:$0x3F9D] =	sst s6  }
0xf: {  	[smem:$0x3F9E] =	sst s7  }
0x10: {  	[smem:$0x3F9F] =	sst s8  }
0x11: {  	[smem:$0x3FA0] =	sst s9;
	s0 =	simm.s32 @!p0 $0x0  }
0x12: {  	s1 =	sld [smem:$0x3F86];
	s0 =	simm.s32 @p0 $0x1  }
0x13: {  	[smem:$0x3FA1] =	sst s0;
	s0 =	simm.s32 @!p1 $0x0  }
0x14: {  	s2 =	sld [smem:$0x3F85];
	s0 =	simm.s32 @p1 $0x1  }
0x15: {  	[smem:$0x3FA2] =	sst s0;
	s0 =	simm.s32 @!p2 $0x0  }
0x16: {  	s3 =	sld [smem:$0x3FDB];
	s0 =	simm.s32 @p2 $0x1  }
0x17: {  	s4 =	simm.s32 $0x1BF5;
	[smem:$0x3FA4] =	sst s0  }
0x18: {  	s0 =	sld [smem:$0x3F87];
	_ =	swait.ge [sflag:s4], $0x0  }
0x19: {  	s7 =	sld [smem:$0x3F88]  }
0x1a: {  	s8 =	sadd.s32 $0xFFFFE003, lr  }
0x1b: {  	s9 =	sadd.s32 $0xFFFFFEF7, lr;
	s5 =	simm.s32 $0xFFFFFFFF;
	p2 =	slt.u32 s8, $0xFFFFF086  }
0x1c: {  	p1 =	slt.u32 s9, $0xF7A;
	s5 =	simm.s32 @!p2 $0x0  }
0x1d: {  	s5 =	simm.s32 @p1 $0x1;
	p0 =	seq.s32 s7, s2  }
0x1e: {  	s7 =	smul.u32 @!p0 $0xF7A, s2;
	p2 =	seq.s32 @!p0 s5, $0x0  }
0x1f: {  	s9 =	smul.u32 $0xF7A, s1;
	s8 =	simm.s32 @!p0 $0x1BF5;
	p2 =	por !p2, p0  }
0x20: {  	[sflag:s8] =	ssyncset.s32 @!p0 $0xFFFFF086;
	s6 =	sadd.s32 @!p0 s3, s7;
	s7 =	simm.s32 @!p0 $0x108  }
0x21: {  	s3 =	sadd.s32 s3, s9;
	s6 =	sadd.s32 @!p0 $0x88, s6;
	s7 =	simm.s32 @p2 $0x1082  }
0x22: {  	[simem:s7], [sflag:s8] =	dma.local @!p0 [hbm:s6], $0xF7A  }
0x23: {  	s9 =	sor.u32 $0xD0000000, s2;
	s6 =	simm.s32 $0x108;
	_ =	swait.ge @!p0 [sflag:s8], $0x0  }
0x24: {  	s3 =	sadd.s32 $0x88, s3;
	s6 =	simm.s32 @!p1 $0x1082;
	[sflag:s4] =	ssyncset.s32 $0xFFFFF086  }
0x25: {  	[simem:s6], [sflag:s4] =	dma.local [hbm:s3], $0xF7A  }
0x26: {  	[smem:$0x3F88] =	sst s1;
	(tag) =	ssettag s2;
	_ =	strace s9  }
0x27: {  	s1 =	sld [smem:$0x3F98]  }
0x28: {  	s2 =	sld [smem:$0x3F99]  }
0x29: {  	s4 =	sld [smem:$0x3F9B]  }
0x2a: {  	p0 =	seq.s32 s5, $0x0;
	s5 =	sld [smem:$0x3F9C]  }
0x2b: {  	s6 =	sld [smem:$0x3F9D]  }
0x2c: {  	s7 =	sld [smem:$0x3F9E]  }
0x2d: {  	s3 =	simm.s32 $0x108;
	s8 =	sld [smem:$0x3F9F]  }
0x2e: {  	s3 =	simm.s32 @!p0 $0x1082;
	s9 =	sld [smem:$0x3FA0]  }
0x2f: {  	lr =	sadd.s32 s0, s3;
	s0 =	sld [smem:$0x3F97]  }
0x30: {  	s3 =	sld [smem:$0x3F9A]  }
0x31: {  	[smem:$0x3FA3] =	sst s10  }
0x32: {  	s10 =	sld [smem:$0x3FA1];
	_ =	sdelay $0x3  }
0x33: {  	p0 =	seq.s32 s10, $0x1;
	s10 =	sld [smem:$0x3FA3];
	_ =	sdelay $0x3  }
0x34: {  	[smem:$0x3FA3] =	sst s10  }
0x35: {  	s10 =	sld [smem:$0x3FA2];
	_ =	sdelay $0x3  }
0x36: {  	p1 =	seq.s32 s10, $0x1;
	s10 =	sld [smem:$0x3FA3];
	_ =	sdelay $0x3  }
0x37: {  	[smem:$0x3FA3] =	sst s10  }
0x38: {  	s10 =	sld [smem:$0x3FA4]  }
0x39: {  	_ = 	snop;
	(pc) =	sbr.ind lr, $3  }
0x3a: {  	_ = 	snop  }
0x3b: {  	_ = 	snop  }
0x3c: {  	p2 =	seq.s32 s10, $0x1;
	s10 =	sld [smem:$0x3FA3]  }
0x3d: {  	_ =	shalt  }
0x3e: {  	_ =	shalt  }
0x3f: {  	_ =	shalt  }
0x40: {  	_ =	shalt  }
0x41: {  	_ =	shalt  }
0x42: {  	_ =	shalt  }
0x43: {  	_ =	shalt  }
0x44: {  	_ =	shalt  }
0x45: {  	_ =	shalt  }
0x46: {  	_ =	shalt  }
0x47: {  	_ =	shalt  }
0x48: {  	_ =	shalt  }
0x49: {  	_ =	shalt  }
0x4a: {  	_ =	shalt  }
0x4b: {  	_ =	shalt  }
0x4c: {  	_ =	shalt  }
0x4d: {  	_ =	shalt  }
0x4e: {  	_ =	shalt  }
0x4f: {  	_ =	shalt  }
0x50: {  	_ =	shalt  }
0x51: {  	_ =	shalt  }
0x52: {  	_ =	shalt  }
0x53: {  	_ =	shalt  }
0x54: {  	_ =	shalt  }
0x55: {  	_ =	shalt  }
0x56: {  	_ =	shalt  }
0x57: {  	_ =	shalt  }
0x58: {  	_ =	shalt  }
0x59: {  	_ =	shalt  }
0x5a: {  	_ =	shalt  }
0x5b: {  	_ =	shalt  }
0x5c: {  	_ =	shalt  }
0x5d: {  	_ =	shalt  }
0x5e: {  	_ =	shalt  }
0x5f: {  	_ =	shalt  }
0x60: {  	_ =	shalt  }
0x61: {  	_ =	shalt  }
0x62: {  	_ =	shalt  }
0x63: {  	_ =	shalt  }
0x64: {  	_ =	shalt  }
0x65: {  	_ =	shalt  }
0x66: {  	_ =	shalt  }
0x67: {  	_ =	shalt  }
0x68: {  	_ =	shalt  }
0x69: {  	_ =	shalt  }
0x6a: {  	_ =	shalt  }
0x6b: {  	_ =	shalt  }
0x6c: {  	_ =	shalt  }
0x6d: {  	_ =	shalt  }
0x6e: {  	_ =	shalt  }
0x6f: {  	_ =	shalt  }
0x70: {  	_ =	shalt  }
0x71: {  	_ =	shalt  }
0x72: {  	_ =	shalt  }
0x73: {  	_ =	shalt  }
0x74: {  	_ =	shalt  }
0x75: {  	_ =	shalt  }
0x76: {  	_ =	shalt  }
0x77: {  	_ =	shalt  }
0x78: {  	_ =	shalt  }
0x79: {  	_ =	shalt  }
0x7a: {  	_ =	shalt  }
0x7b: {  	_ =	shalt  }
0x7c: {  	_ =	shalt  }
0x7d: {  	_ =	shalt  }
0x7e: {  	_ =	shalt  }
0x7f: {  	_ =	shalt  }
0x80: {  	_ =	shalt  }
0x81: {  	_ =	shalt  }
0x82: {  	_ =	shalt  }
0x83: {  	_ =	shalt  }
0x84: {  	_ =	shalt  }
0x85: {  	_ =	shalt  }
0x86: {  	_ =	shalt  }
0x87: {  	_ =	shalt  }
.Lfunc_end0:
.L_simem_size_0:
called_computation.1_lowered:
.L_overlay_start_0:
0x88: {  	s2 =	sld [smem:$0x3FD9]  }
0x89: {  	s3 =	sld [smem:$0x3FFE];
	_ =	sdelay $0x1  }
0x8a: {  	s1 =	srdreg.scid  }
0x8b: {  	s0 =	sand.u32 $0x1, s1  }
0x8c: {  	s17 =	sshll.u32 s0, $0xA;
	s2 =	sadd.s32 s3, s2  }
0x8d: {  	s2 =	sadd.s32 s2, s17  }
0x8e: {  	[smem:$0x3FAF] =	sst s2  }
0x8f: {  	_ = 	snop  }
0x90: {  	s2 =	sld [smem:$0x3FD0];
	(tm) =	ssettm $0x1  }
0x91: {  	s18 =	sld [smem:$0x3FFB];
	_ =	sdelay $0x3  }
0x92: {  	_ =	strace s18  }
0x93: {  	s3 =	sld [smem:$0x3FFC];
	_ =	sdelay $0x3  }
0x94: {  	_ =	strace s3  }
0x95: {  	s3 =	sld [smem:$0x3FFD];
	_ =	sdelay $0x3  }
0x96: {  	_ =	strace s3  }
0x97: {  	_ =	strace $0x8FFFFFFF  }
0x98: {  	s19 =	sld [smem:$0x3FDB];
	_ =	sdelay $0x1  }
0x99: {  	s4 =	simm.s32 $_scs_section_size  }
0x9a: {  	s5 =	simm.s32 $_size__tile_overlayer_lowered;
	s6 =	simm.s32 $_tile_overlayer_lowered  }
0x9b: {  	s22 =	simm.s32 $0x1BFF;
	s21 =	sshll.u32 s6, $0x1;
	s3 =	sadd.s32 s4, s19  }
0x9c: {  	s7 =	simm.s32 $0x0;
	s20 =	sshll.u32 s5, $0x1;
	s5 =	sadd.s32 s21, s3  }
0x9d: {  	[timem:s7], [sflag:s22] =	dma.local [hbm:s5], s20  }
0x9e: {  	_ =	swait.ge [sflag:s22], s20  }
0x9f: {  	s4 =	ssub.s32 $0x0, s20;
	[sflag:s22] =	ssyncset.done $0x0  }
0xa0: {  	[sflag:s22] =	ssyncadd.s32 s4;
	_ =	sdelay $0x1  }
0xa1: {  	s23 =	simm.s32 $0x1B8B  }
0xa2: {  	_ =	swait.ge [sflag:s23], $0x1  }
0xa3: {  	[sflag:s23] =	ssyncset.done $0x0  }
0xa4: {  	s25 =	simm.s32 $0x1B8E;
	s24 =	sld [smem:$0x3FFE];
	[sflag:s23] =	ssyncadd.s32 $0xFFFFFFFF  }
0xa5: {  	s26 =	simm.s32 $execute0_lowered;
	[smem:$0x3FD2] =	sst s25  }
0xa6: {  	s5 =	sshll.u32 s26, $0x1;
	_ =	strace $0x80000049;
	[dreg:$0x1] =	wrdreg $0xFFFFFFFF  }
0xa7: {  	s28 =	simm.s32 $_size_execute0_lowered;
	s3 =	sadd.s32 s3, s5;
	[dreg:$0x0] =	wrdreg $0x0  }
0xa8: {  	s5 =	sshll.u32 s28, $0x1;
	[dreg:$0x2] =	wrdreg s3  }
0xa9: {  	[dreg:$0x3] =	wrdreg s5  }
0xaa: {  	[dreg:$0x4] =	wrdreg $0xC0  }
0xab: {  	_ =	task [dreg:s7], $0x5FFFF  }
0xac: {  	[dreg:$0x1] =	wrdreg $0xFFFFFFFF  }
0xad: {  	[dreg:$0x0] =	wrdreg $0x60  }
0xae: {  	[dreg:$0x2] =	wrdreg s24  }
0xaf: {  	[dreg:$0x3] =	wrdreg s2  }
0xb0: {  	[dreg:$0x4] =	wrdreg $0x0  }
0xb1: {  	[dreg:$0x5] =	wrdreg $0x9  }
0xb2: {  	_ =	task.clear_ibuf [dreg:s7], $0x6FFFF;
	_ =	strace $0x90000049  }
0xb3: {  	s29 =	simm.s32 $0x9;
	_ =	strace $0x8000004B  }
0xb4: {  	_ =	swait.ge [sflag:s29], $0x1  }
0xb5: {  	[sflag:s29] =	ssyncadd.s32 $0xFFFFFFFF  }
0xb6: {  	_ =	strace $0x9000004B  }
0xb7: {  	_ =	sfence  }
0xb8: {  	s30 =	sld [smem:$0x0];
	_ =	sdelay $0x2  }
0xb9: {  	s31 =	sshll.u32 s1, $0xD;
	s1 =	sshrl.u32 s1, $0x2  }
0xba: {  	s3 =	sand.u32 $0x4000, s31;
	s1 =	sadd.s32 s1, s30  }
0xbb: {  	s0 =	sor.u32 s3, s0;
	s1 =	sshll.u32 s1, $0x11  }
0xbc: {  	s0 =	sor.u32 s1, s0  }
0xbd: {  	s0 =	sadd.s32 $0x8F2B, s0  }
0xbe: {  	[sflag:s0] =	ssyncadd.remote.s32 $0x1  }
0xbf: {  	_ =	sfence.sel $0xFFFF  }
0xc0: {  	[dreg:$0x0] =	wrdreg $0xFFFFFFFF;
	(pc) =	sbr.abs _section_cstart, $3  }
0xc1: {  	[dreg:$0x1] =	wrdreg $0xFFFFFFFF  }
0xc2: {  	_ =	task.clear_ibuf [dreg:s7], $0x2FFFF;
	_ =	strace $0x9FFFFFFF  }
0xc3: {  	(tm) =	ssettm $0x7FFFFFFF  }
tec
execute0_lowered:
.L_overlay_start_1:
0x0: {  	(tag) =	ssettag $0x1  }
0x1: {  	s0 =	rddreg [dreg:$0x0]  }
0x2: {  	s2 =	rddreg [dreg:$0x2];
	s3 =	simm.s32 $0x0;
	s1 =	srdreg.scid  }
0x3: {  	s9 =	stileid.u32;
	s28 =	simm.s32 $0x16800;
	s29 =	simm.s32 $0x50  }
0x4: {  	s30 =	simm.s32 $0x0;
	s31 =	simm.s32 $0x0;
	[smem:$0x7FF] =	sst s3  }
0x5: {  	s1 =	sand.u32 $0x1, s1;
	s5 =	sadd.s32 $0x1DDB800, s0;
	s8 =	smul.u32 $0x50000, s9  }
0x6: {  	s6 =	sadd.s32 $0x37800, s0;
	s0 =	sadd.s32 $0x41600, s0;
	s16 =	sshll.u32 s9, $0x1  }
0x7: {  	s18 =	smul.u32 $0x14000, s9;
	_ =	strace $0x8000004A;
	s4 =	ssub.s32 $0x2, s1  }
0x8: {  	s19 =	smul.u32 $0x140000, s1;
	s1 =	sor.u32 s1, s16;
	s7 =	sshrl.u32 s4, $0x1  }
0x9: {  	s8 =	sshrl.u32 s8, $0x2;
	s21 =	sadd.s32 $0x4000, s18;
	s23 =	sadd.s32 $0x8000, s18  }
0xa: {  	s24 =	sadd.s32 $0xC000, s18;
	s4 =	ssub.s32 s4, s7;
	s7 =	sadd.s32 s8, s2  }
0xb: {  	s8 =	smul.u32 $0x2710, s1;
	s20 =	sadd.s32 s19, s18;
	s15 =	sadd.s32 s19, s21  }
0xc: {  	s17 =	smax.u32 s4, $0x1;
	s10 =	sadd.s32 $0x4000, s7;
	s11 =	sadd.s32 $0x8000, s7  }
0xd: {  	s12 =	sadd.s32 $0xC000, s7;
	s1 =	sshrl.u32 s20, $0x3;
	s13 =	sadd.s32 $0x10000, s7  }
0xe: {  	s22 =	sshrl.u32 s15, $0x3;
	s15 =	sadd.s32 s21, s2;
	s20 =	sadd.s32 s19, s24  }
0xf: {  	s21 =	sadd.s32 $0x10000, s18;
	[dreg:$0x4] =	wrdreg s17;
	s14 =	sadd.s32 s0, s1  }
0x10: {  	s16 =	sadd.s32 s0, s22;
	s17 =	sadd.s32 s23, s2;
	s1 =	sadd.s32 s19, s23  }
0x11: {  	s25 =	sshrl.u32 s20, $0x3;
	s22 =	sadd.s32 s19, s21;
	s19 =	sadd.s32 s24, s2  }
0x12: {  	s21 =	sadd.s32 s21, s2;
	s23 =	simm.s32 $0x16880;
	s24 =	simm.s32 $0x1  }
0x13: {  	s1 =	sshrl.u32 s1, $0x3;
	s20 =	sadd.s32 s0, s25;
	s26 =	sshrl.u32 s22, $0x3  }
0x14: {  	v0 =	vimm.f32 $0.0e+00;
	s18 =	sadd.s32 s0, s1;
	s22 =	sadd.s32 s0, s26;
	s26 =	simm.s32 $0x14000  }
.LBB2_1:
0x15: {  	s0 =	simm.s32 $0x0;
	s1 =	simm.s32 $0x200  }
.LBB2_2:
0x16: {  	p0 =	sne.s32 s1, $0xFE00;
	[tilespmem:s0+$0x168F0] =	vst v0  }
0x17: {  	[tilespmem:s0+$0x16880] =	vst v0  }
0x18: {  	[tilespmem:s0+$0x16890] =	vst v0  }
.Ltmp0:
0x19: {  	[tilespmem:s0+$0x168A0] =	vst v0;
	(pc) =	sbr.rel @p0 .LBB2_2-.Ltmp0, $4  }
0x1a: {  	[tilespmem:s0+$0x168B0] =	vst v0  }
0x1b: {  	[tilespmem:s0+$0x168C0] =	vst v0  }
0x1c: {  	[tilespmem:s0+$0x168D0] =	vst v0  }
0x1d: {  	[tilespmem:s0+$0x168E0] =	vst v0;
	s0 =	sshra.s32 s1, $0x2;
	s1 =	sadd.s32 $0x200, s1  }
0x1e: {  	[tilespmem:s0+$0x168F0] =	vst v0  }
0x1f: {  	[tilespmem:s0+$0x16880] =	vst v0  }
0x20: {  	[tilespmem:s0+$0x16890] =	vst v0  }
0x21: {  	[tilespmem:s0+$0x168A0] =	vst v0  }
0x22: {  	[tilespmem:s0+$0x168B0] =	vst v0  }
0x23: {  	[tilespmem:s0+$0x168C0] =	vst v0  }
0x24: {  	[tilespmem:s0+$0x168D0] =	vst v0  }
0x25: {  	[tilespmem:s0+$0x168E0] =	vst v0  }
0x26: {  	[spmem:s7] =	stream.linear.scatter [tilespmem:s23], [sflag:$0x1], $0x4000, $0x38;
	[tilespmem:$0x1A900] =	vst v63  }
0x27: {  	_ =	swait.ge [sflag:s24], $0x4000  }
0x28: {  	[sflag:s24] =	ssyncset.done $0x0  }
0x29: {  	[sflag:s24] =	ssyncadd.s32 $0xFFFFC000  }
0x2a: {  	[spmem:s10] =	stream.linear.scatter [tilespmem:s23], [sflag:$0x1], $0x4000, $0x38;
	[tilespmem:$0x1A900] =	vst v63  }
0x2b: {  	_ =	swait.ge [sflag:s24], $0x4000  }
0x2c: {  	[sflag:s24] =	ssyncset.done $0x0  }
0x2d: {  	[sflag:s24] =	ssyncadd.s32 $0xFFFFC000  }
0x2e: {  	[spmem:s11] =	stream.linear.scatter [tilespmem:s23], [sflag:$0x1], $0x4000, $0x38;
	[tilespmem:$0x1A900] =	vst v63  }
0x2f: {  	_ =	swait.ge [sflag:s24], $0x4000  }
0x30: {  	[sflag:s24] =	ssyncset.done $0x0  }
0x31: {  	[sflag:s24] =	ssyncadd.s32 $0xFFFFC000  }
0x32: {  	[spmem:s12] =	stream.linear.scatter [tilespmem:s23], [sflag:$0x1], $0x4000, $0x38;
	[tilespmem:$0x1A900] =	vst v63  }
0x33: {  	_ =	swait.ge [sflag:s24], $0x4000  }
0x34: {  	[sflag:s24] =	ssyncset.done $0x0  }
0x35: {  	[sflag:s24] =	ssyncadd.s32 $0xFFFFC000  }
0x36: {  	[spmem:s13] =	stream.linear.scatter [tilespmem:s23], [sflag:$0x1], $0x4000, $0x38;
	[tilespmem:$0x1A900] =	vst v63  }
0x37: {  	_ =	swait.ge [sflag:s24], $0x4000  }
0x38: {  	[sflag:s24] =	ssyncset.done $0x0  }
0x39: {  	[sflag:s24] =	ssyncadd.s32 $0xFFFFC000  }
0x3a: {  	s1 =	simm.s32 $0x1A880;
	s25 =	rddreg [dreg:$0x1]  }
0x3b: {  	[tilespmem:s1], [sflag:$0x1] =	stream.linear.gather [hbm4b:s25+s31], $0x80, $0x38;
	[tilespmem:$0x1A900] =	vst v63  }
0x3c: {  	_ =	swait.ge [sflag:s24], $0x80  }
0x3d: {  	[sflag:s24] =	ssyncset.done $0x0  }
0x3e: {  	[sflag:s24] =	ssyncadd.s32 $0xFFFFFF80  }
0x3f: {  	[bflag:$0x0] =	sbarrier.arrive $0xFFFF  }
0x40: {  	s0 =	simm.s32 $0x0;
	v1 =	vld [tilespmem:$0x1A880]  }
.LBB2_4:
0x41: {  	s1 =	smul.u32 $0x50, s0;
	_ =	sdelay $0x1  }
0x42: {  	s1 =	sadd.s32 s8, s1  }
0x43: {  	s4 =	sshll.u32 s1, $0x4  }
0x44: {  	s4 =	sadd.s32 s5, s4  }
0x45: {  	[tilespmem:s26], [sflag:$0x1] =	stream.linear.gather [hbm4b:s4+s31], $0x2800, $0x38;
	[tilespmem:$0x1A900] =	vst v63  }
0x46: {  	_ =	swait.ge [sflag:s24], $0x2800  }
0x47: {  	s1 =	sshrl.u32 s1, $0x3;
	[sflag:s24] =	ssyncset.done $0x0  }
0x48: {  	s1 =	sadd.s32 s6, s1;
	[sflag:s24] =	ssyncadd.s32 $0xFFFFD800  }
0x49: {  	[tilespmem:s28], [sflag:$0x1] =	stream.linear.gather [hbm4b:s1+s31], $0x50, $0x38;
	[tilespmem:$0x1A900] =	vst v63  }
0x4a: {  	_ =	swait.ge [sflag:s24], $0x50  }
0x4b: {  	[sflag:s24] =	ssyncset.done $0x0  }
0x4c: {  	s4 =	simm.s32 $0x0;
	[sflag:s24] =	ssyncadd.s32 $0xFFFFFFB0  }
0x4d: {  	v2 =	vld [tilespmem:s4+$0x14000];
	_ =	sdelay $0x4  }
0x4e: {  	v2 =	vsub.f32 v2, v1;
	_ =	sdelay $0x1  }
0x4f: {  	v3 =	vmul.f32 $1.442695020e+00, v2;
	_ =	sdelay $0x1  }
0x50: {  	(erf) = vpow2.f32 v3;
	_ =	sdelay $0x3  }
0x51: {  	v4 =	vld [tilespmem:s4+$0x14030]  }
0x52: {  	v2 =	vld [tilespmem:s4+$0x14020]  }
0x53: {  	v3 =	vld [tilespmem:s4+$0x14010];
	_ =	sdelay $0x1  }
0x54: {  	s25 =	simm.s32 $0x400;
	s1 =	simm.s32 $0x200  }
.LBB2_5:
0x55: {  	p0 =	sne.s32 s25, $0x9E00;
	v5 =	vpop (erf)  }
0x56: {  	s9 =	sshra.s32 s1, $0x2;
	s1 =	smov.u32 s25;
	[tilespmem:s4+$0x14000] =	vst v5;
	v2 =	vmul.f32 v2, v5;
	v4 =	vmul.f32 v4, v5  }
0x57: {  	v6 =	vld [tilespmem:s9+$0x14000];
	v3 =	vmul.f32 v5, v3  }
0x58: {  	[tilespmem:s4+$0x14030] =	vst v4  }
0x59: {  	[tilespmem:s4+$0x14020] =	vst v2  }
0x5a: {  	[tilespmem:s4+$0x14010] =	vst v3;
	s4 =	smov.u32 s9;
	_ =	sdelay $0x1  }
0x5b: {  	v2 =	vsub.f32 v6, v1;
	_ =	sdelay $0x1  }
0x5c: {  	v2 =	vmul.f32 $1.442695020e+00, v2;
	_ =	sdelay $0x1  }
0x5d: {  	(erf) = vpow2.f32 v2;
	_ =	sdelay $0x3  }
.Ltmp1:
0x5e: {  	v2 =	vld [tilespmem:s4+$0x14020];
	(pc) =	sbr.rel @p0 .LBB2_5-.Ltmp1, $3  }
0x5f: {  	v4 =	vld [tilespmem:s4+$0x14030]  }
0x60: {  	v3 =	vld [tilespmem:s4+$0x14010];
	_ =	sdelay $0x1  }
0x61: {  	s25 =	sadd.s32 $0x200, s25  }
0x62: {  	v5 =	vpop (erf)  }
0x63: {  	s1 =	sshra.s32 s1, $0x2;
	[tilespmem:s4+$0x14000] =	vst v5  }
0x64: {  	v6 =	vld [tilespmem:s1+$0x14000];
	_ =	sdelay $0x4  }
0x65: {  	v6 =	vsub.f32 v6, v1;
	_ =	sdelay $0x1  }
0x66: {  	v6 =	vmul.f32 $1.442695020e+00, v6;
	_ =	sdelay $0x1  }
0x67: {  	v4 =	vmul.f32 v4, v5;
	(erf) = vpow2.f32 v6  }
0x68: {  	v2 =	vmul.f32 v2, v5  }
0x69: {  	v3 =	vmul.f32 v5, v3;
	[tilespmem:s4+$0x14030] =	vst v4  }
0x6a: {  	[tilespmem:s4+$0x14020] =	vst v2  }
0x6b: {  	[tilespmem:s4+$0x14010] =	vst v3  }
0x6c: {  	v2 =	vld [tilespmem:s1+$0x14030]  }
0x6d: {  	v3 =	vld [tilespmem:s1+$0x14020]  }
0x6e: {  	v4 =	vld [tilespmem:s1+$0x14010];
	_ =	sdelay $0x1  }
0x6f: {  	v63 =	vpop (erf)  }
0x70: {  	v2 =	vmul.f32 v2, v63  }
0x71: {  	[tilespmem:s1+$0x14000] =	vst v63;
	v3 =	vmul.f32 v3, v63  }
0x72: {  	s0 =	sadd.s32 $0x1, s0;
	v4 =	vmul.f32 v63, v4;
	[tilespmem:s1+$0x14030] =	vst v2  }
0x73: {  	p0 =	sne.s32 s0, $0x7D;
	[tilespmem:s1+$0x14020] =	vst v3  }
.Ltmp2:
0x74: {  	[tilespmem:s1+$0x14010] =	vst v4;
	(pc) =	sbr.rel @p0 .LBB2_4-.Ltmp2, $4  }
0x75: {  	[spmem:s2] =	stream.indirect.scatter.add.f32 [tilespmem:s26], [sflag:$0x1], $0x80, s28, s29, $0xb8;
	[tilespmem:$0x1A900] =	vst v63  }
0x76: {  	_ =	swait.ge [sflag:s24], $0x2800  }
0x77: {  	[sflag:s24] =	ssyncset.done $0x0  }
0x78: {  	[sflag:s24] =	ssyncadd.s32 $0xFFFFD800  }
0x79: {  	[bflag:$0x0] =	sbarrier.arrive $0xFFFF  }
0x7a: {  	[tilespmem:s23], [sflag:$0x1] =	stream.linear.gather [spmem:s7], $0x4000, $0x38;
	[tilespmem:$0x1A900] =	vst v63  }
0x7b: {  	_ =	swait.ge [sflag:s24], $0x4000  }
0x7c: {  	[sflag:s24] =	ssyncset.done $0x0  }
0x7d: {  	[sflag:s24] =	ssyncadd.s32 $0xFFFFC000  }
0x7e: {  	[hbm4b:s14+s3] =	stream.linear.scatter [tilespmem:s23], [sflag:$0x1], $0x4000, $0x38;
	[tilespmem:$0x1A900] =	vst v63  }
0x7f: {  	_ =	swait.ge [sflag:s24], $0x4000  }
0x80: {  	[sflag:s24] =	ssyncset.done $0x0  }
0x81: {  	[sflag:s24] =	ssyncadd.s32 $0xFFFFC000  }
0x82: {  	[tilespmem:s23], [sflag:$0x1] =	stream.linear.gather [spmem:s15], $0x4000, $0x38;
	[tilespmem:$0x1A900] =	vst v63  }
0x83: {  	_ =	swait.ge [sflag:s24], $0x4000  }
0x84: {  	[sflag:s24] =	ssyncset.done $0x0  }
0x85: {  	[sflag:s24] =	ssyncadd.s32 $0xFFFFC000  }
0x86: {  	[hbm4b:s16+s3] =	stream.linear.scatter [tilespmem:s23], [sflag:$0x1], $0x4000, $0x38;
	[tilespmem:$0x1A900] =	vst v63  }
0x87: {  	_ =	swait.ge [sflag:s24], $0x4000  }
0x88: {  	[sflag:s24] =	ssyncset.done $0x0  }
0x89: {  	[sflag:s24] =	ssyncadd.s32 $0xFFFFC000  }
0x8a: {  	[tilespmem:s23], [sflag:$0x1] =	stream.linear.gather [spmem:s17], $0x4000, $0x38;
	[tilespmem:$0x1A900] =	vst v63  }
0x8b: {  	_ =	swait.ge [sflag:s24], $0x4000  }
0x8c: {  	[sflag:s24] =	ssyncset.done $0x0  }
0x8d: {  	[sflag:s24] =	ssyncadd.s32 $0xFFFFC000  }
0x8e: {  	[hbm4b:s18+s3] =	stream.linear.scatter [tilespmem:s23], [sflag:$0x1], $0x4000, $0x38;
	[tilespmem:$0x1A900] =	vst v63  }
0x8f: {  	_ =	swait.ge [sflag:s24], $0x4000  }
0x90: {  	[sflag:s24] =	ssyncset.done $0x0  }
0x91: {  	[sflag:s24] =	ssyncadd.s32 $0xFFFFC000  }
0x92: {  	[tilespmem:s23], [sflag:$0x1] =	stream.linear.gather [spmem:s19], $0x4000, $0x38;
	[tilespmem:$0x1A900] =	vst v63  }
0x93: {  	_ =	swait.ge [sflag:s24], $0x4000  }
0x94: {  	[sflag:s24] =	ssyncset.done $0x0  }
0x95: {  	[sflag:s24] =	ssyncadd.s32 $0xFFFFC000  }
0x96: {  	[hbm4b:s20+s3] =	stream.linear.scatter [tilespmem:s23], [sflag:$0x1], $0x4000, $0x38;
	[tilespmem:$0x1A900] =	vst v63  }
0x97: {  	_ =	swait.ge [sflag:s24], $0x4000  }
0x98: {  	[sflag:s24] =	ssyncset.done $0x0  }
0x99: {  	[sflag:s24] =	ssyncadd.s32 $0xFFFFC000  }
0x9a: {  	[tilespmem:s23], [sflag:$0x1] =	stream.linear.gather [spmem:s21], $0x4000, $0x38;
	[tilespmem:$0x1A900] =	vst v63  }
0x9b: {  	_ =	swait.ge [sflag:s24], $0x4000  }
0x9c: {  	[sflag:s24] =	ssyncset.done $0x0  }
0x9d: {  	[sflag:s24] =	ssyncadd.s32 $0xFFFFC000  }
0x9e: {  	[hbm4b:s22+s3] =	stream.linear.scatter [tilespmem:s23], [sflag:$0x1], $0x4000, $0x38;
	[tilespmem:$0x1A900] =	vst v63  }
0x9f: {  	_ =	swait.ge [sflag:s24], $0x4000  }
0xa0: {  	s30 =	sadd.s32 $0x1, s30;
	s0 =	rddreg [dreg:$0x4]  }
0xa1: {  	p0 =	sne.s32 s30, s0  }
.Ltmp3:
0xa2: {  	_ = 	snop;
	(pc) =	sbr.rel @p0 .LBB2_1-.Ltmp3, $3  }
0xa3: {  	_ =	sdelay $0x1  }
0xa4: {  	[sflag:s24] =	ssyncset.done $0x0  }
0xa5: {  	[sflag:s24] =	ssyncadd.s32 $0xFFFFC000  }
0xa6: {  	_ =	sfence.sel $0x180000  }
0xa7: {  	[bflag:$0x0] =	sbarrier.arrive $0xFFFF  }
0xa8: {  	_ =	strace $0x9000004A  }
0xa9: {  	s0 =	stileid.u32;
	[bflag:$0x2] =	sbarrier.arrive $0xFFFF  }
0xaa: {  	p0 =	sne.s32 s0, $0x0;
	s0 =	rddreg [dreg:$0x3]  }
0xab: {  	s0 =	sadd.s32 @!p0 $0x100000, s0  }
0xac: {  	[sflag:s0] =	ssyncadd.tile.s32 @!p0 $0x1;
	_ =	shalt  }
.Lfunc_end2:
_tile_overlayer_lowered:
.L_overlay_start_2:
0xad: {  	(tag) =	ssettag $0x2  }
0xae: {  	s0 =	rddreg [dreg:$0x0];
	s2 =	stileid.u32  }
0xaf: {  	s1 =	rddreg [dreg:$0x1];
	p0 =	sne.s32 s2, $0x0  }
0xb0: {  	s3 =	rddreg [dreg:$0x2];
	[bflag:$0x3] =	sbarrier.arrive $0xFFFF;
	s2 =	simm.s32 @!p0 $0x1C01  }
0xb1: {  	[timem:s3], [sflag:s2] =	dma.local @!p0 [hbm:s0], s1  }
0xb2: {  	s0 =	simm.s32 @!p0 $0x1  }
0xb3: {  	_ =	swait.ge @!p0 [sflag:s0], s1  }
0xb4: {  	s1 =	ssub.s32 @!p0 $0x0, s1;
	[sflag:s0] =	ssyncset.done @!p0 $0x0  }
0xb5: {  	[sflag:s0] =	ssyncadd.s32 @!p0 s1  }
0xb6: {  	[bflag:$0x3] =	sbarrier.arrive $0xFFFF  }
0xb7: {  	_ =	shalt  }

// kernel: kernel.7.cloned.1.call-start
scs
__scs_entry_jumppad:
0x0: {  	(pc) =	sbr.rel $0x88, $3  }
0x1: {  	(tag) =	ssettag $0x0;
	lr =	simm.s32 $0x1  }
0x2: {  	[smem:$0x3F88] =	sst lr;
	_ =	strace $0xD0000000  }
0x3: {  	_ = 	snop  }
0x4: {  	_ = 	snop  }
0x5: {  	_ = 	snop  }
0x6: {  	_ = 	snop  }
0x7: {  	_ = 	snop  }
__scs_overlays_trampoline_lowered:
0x8: {  	[smem:$0x3F97] =	sst s0  }
0x9: {  	[smem:$0x3F98] =	sst s1  }
0xa: {  	[smem:$0x3F99] =	sst s2  }
0xb: {  	[smem:$0x3F9A] =	sst s3  }
0xc: {  	[smem:$0x3F9B] =	sst s4  }
0xd: {  	[smem:$0x3F9C] =	sst s5  }
0xe: {  	[smem:$0x3F9D] =	sst s6  }
0xf: {  	[smem:$0x3F9E] =	sst s7  }
0x10: {  	[smem:$0x3F9F] =	sst s8  }
0x11: {  	[smem:$0x3FA0] =	sst s9;
	s0 =	simm.s32 @!p0 $0x0  }
0x12: {  	s1 =	sld [smem:$0x3F86];
	s0 =	simm.s32 @p0 $0x1  }
0x13: {  	[smem:$0x3FA1] =	sst s0;
	s0 =	simm.s32 @!p1 $0x0  }
0x14: {  	s2 =	sld [smem:$0x3F85];
	s0 =	simm.s32 @p1 $0x1  }
0x15: {  	[smem:$0x3FA2] =	sst s0;
	s0 =	simm.s32 @!p2 $0x0  }
0x16: {  	s3 =	sld [smem:$0x3FDB];
	s0 =	simm.s32 @p2 $0x1  }
0x17: {  	s4 =	simm.s32 $0x1BF5;
	[smem:$0x3FA4] =	sst s0  }
0x18: {  	s0 =	sld [smem:$0x3F87];
	_ =	swait.ge [sflag:s4], $0x0  }
0x19: {  	s7 =	sld [smem:$0x3F88]  }
0x1a: {  	s8 =	sadd.s32 $0xFFFFE003, lr  }
0x1b: {  	s9 =	sadd.s32 $0xFFFFFEF7, lr;
	s5 =	simm.s32 $0xFFFFFFFF;
	p2 =	slt.u32 s8, $0xFFFFF086  }
0x1c: {  	p1 =	slt.u32 s9, $0xF7A;
	s5 =	simm.s32 @!p2 $0x0  }
0x1d: {  	s5 =	simm.s32 @p1 $0x1;
	p0 =	seq.s32 s7, s2  }
0x1e: {  	s7 =	smul.u32 @!p0 $0xF7A, s2;
	p2 =	seq.s32 @!p0 s5, $0x0  }
0x1f: {  	s9 =	smul.u32 $0xF7A, s1;
	s8 =	simm.s32 @!p0 $0x1BF5;
	p2 =	por !p2, p0  }
0x20: {  	[sflag:s8] =	ssyncset.s32 @!p0 $0xFFFFF086;
	s6 =	sadd.s32 @!p0 s3, s7;
	s7 =	simm.s32 @!p0 $0x108  }
0x21: {  	s3 =	sadd.s32 s3, s9;
	s6 =	sadd.s32 @!p0 $0x88, s6;
	s7 =	simm.s32 @p2 $0x1082  }
0x22: {  	[simem:s7], [sflag:s8] =	dma.local @!p0 [hbm:s6], $0xF7A  }
0x23: {  	s9 =	sor.u32 $0xD0000000, s2;
	s6 =	simm.s32 $0x108;
	_ =	swait.ge @!p0 [sflag:s8], $0x0  }
0x24: {  	s3 =	sadd.s32 $0x88, s3;
	s6 =	simm.s32 @!p1 $0x1082;
	[sflag:s4] =	ssyncset.s32 $0xFFFFF086  }
0x25: {  	[simem:s6], [sflag:s4] =	dma.local [hbm:s3], $0xF7A  }
0x26: {  	[smem:$0x3F88] =	sst s1;
	(tag) =	ssettag s2;
	_ =	strace s9  }
0x27: {  	s1 =	sld [smem:$0x3F98]  }
0x28: {  	s2 =	sld [smem:$0x3F99]  }
0x29: {  	s4 =	sld [smem:$0x3F9B]  }
0x2a: {  	p0 =	seq.s32 s5, $0x0;
	s5 =	sld [smem:$0x3F9C]  }
0x2b: {  	s6 =	sld [smem:$0x3F9D]  }
0x2c: {  	s7 =	sld [smem:$0x3F9E]  }
0x2d: {  	s3 =	simm.s32 $0x108;
	s8 =	sld [smem:$0x3F9F]  }
0x2e: {  	s3 =	simm.s32 @!p0 $0x1082;
	s9 =	sld [smem:$0x3FA0]  }
0x2f: {  	lr =	sadd.s32 s0, s3;
	s0 =	sld [smem:$0x3F97]  }
0x30: {  	s3 =	sld [smem:$0x3F9A]  }
0x31: {  	[smem:$0x3FA3] =	sst s10  }
0x32: {  	s10 =	sld [smem:$0x3FA1];
	_ =	sdelay $0x3  }
0x33: {  	p0 =	seq.s32 s10, $0x1;
	s10 =	sld [smem:$0x3FA3];
	_ =	sdelay $0x3  }
0x34: {  	[smem:$0x3FA3] =	sst s10  }
0x35: {  	s10 =	sld [smem:$0x3FA2];
	_ =	sdelay $0x3  }
0x36: {  	p1 =	seq.s32 s10, $0x1;
	s10 =	sld [smem:$0x3FA3];
	_ =	sdelay $0x3  }
0x37: {  	[smem:$0x3FA3] =	sst s10  }
0x38: {  	s10 =	sld [smem:$0x3FA4]  }
0x39: {  	_ = 	snop;
	(pc) =	sbr.ind lr, $3  }
0x3a: {  	_ = 	snop  }
0x3b: {  	_ = 	snop  }
0x3c: {  	p2 =	seq.s32 s10, $0x1;
	s10 =	sld [smem:$0x3FA3]  }
0x3d: {  	_ =	shalt  }
0x3e: {  	_ =	shalt  }
0x3f: {  	_ =	shalt  }
0x40: {  	_ =	shalt  }
0x41: {  	_ =	shalt  }
0x42: {  	_ =	shalt  }
0x43: {  	_ =	shalt  }
0x44: {  	_ =	shalt  }
0x45: {  	_ =	shalt  }
0x46: {  	_ =	shalt  }
0x47: {  	_ =	shalt  }
0x48: {  	_ =	shalt  }
0x49: {  	_ =	shalt  }
0x4a: {  	_ =	shalt  }
0x4b: {  	_ =	shalt  }
0x4c: {  	_ =	shalt  }
0x4d: {  	_ =	shalt  }
0x4e: {  	_ =	shalt  }
0x4f: {  	_ =	shalt  }
0x50: {  	_ =	shalt  }
0x51: {  	_ =	shalt  }
0x52: {  	_ =	shalt  }
0x53: {  	_ =	shalt  }
0x54: {  	_ =	shalt  }
0x55: {  	_ =	shalt  }
0x56: {  	_ =	shalt  }
0x57: {  	_ =	shalt  }
0x58: {  	_ =	shalt  }
0x59: {  	_ =	shalt  }
0x5a: {  	_ =	shalt  }
0x5b: {  	_ =	shalt  }
0x5c: {  	_ =	shalt  }
0x5d: {  	_ =	shalt  }
0x5e: {  	_ =	shalt  }
0x5f: {  	_ =	shalt  }
0x60: {  	_ =	shalt  }
0x61: {  	_ =	shalt  }
0x62: {  	_ =	shalt  }
0x63: {  	_ =	shalt  }
0x64: {  	_ =	shalt  }
0x65: {  	_ =	shalt  }
0x66: {  	_ =	shalt  }
0x67: {  	_ =	shalt  }
0x68: {  	_ =	shalt  }
0x69: {  	_ =	shalt  }
0x6a: {  	_ =	shalt  }
0x6b: {  	_ =	shalt  }
0x6c: {  	_ =	shalt  }
0x6d: {  	_ =	shalt  }
0x6e: {  	_ =	shalt  }
0x6f: {  	_ =	shalt  }
0x70: {  	_ =	shalt  }
0x71: {  	_ =	shalt  }
0x72: {  	_ =	shalt  }
0x73: {  	_ =	shalt  }
0x74: {  	_ =	shalt  }
0x75: {  	_ =	shalt  }
0x76: {  	_ =	shalt  }
0x77: {  	_ =	shalt  }
0x78: {  	_ =	shalt  }
0x79: {  	_ =	shalt  }
0x7a: {  	_ =	shalt  }
0x7b: {  	_ =	shalt  }
0x7c: {  	_ =	shalt  }
0x7d: {  	_ =	shalt  }
0x7e: {  	_ =	shalt  }
0x7f: {  	_ =	shalt  }
0x80: {  	_ =	shalt  }
0x81: {  	_ =	shalt  }
0x82: {  	_ =	shalt  }
0x83: {  	_ =	shalt  }
0x84: {  	_ =	shalt  }
0x85: {  	_ =	shalt  }
0x86: {  	_ =	shalt  }
0x87: {  	_ =	shalt  }
.Lfunc_end0:
.L_simem_size_0:
called_computation_lowered:
.L_overlay_start_0:
0x88: {  	s2 =	sld [smem:$0x3FD9]  }
0x89: {  	s3 =	sld [smem:$0x3FFE];
	_ =	sdelay $0x1  }
0x8a: {  	s1 =	srdreg.scid  }
0x8b: {  	s0 =	sand.u32 $0x1, s1  }
0x8c: {  	s16 =	sshll.u32 s0, $0xA;
	s2 =	sadd.s32 s3, s2  }
0x8d: {  	s2 =	sadd.s32 s2, s16  }
0x8e: {  	[smem:$0x3FAF] =	sst s2  }
0x8f: {  	_ = 	snop  }
0x90: {  	(tm) =	ssettm $0x1  }
0x91: {  	s17 =	sld [smem:$0x3FFB];
	_ =	sdelay $0x3  }
0x92: {  	_ =	strace s17  }
0x93: {  	s2 =	sld [smem:$0x3FFC];
	_ =	sdelay $0x3  }
0x94: {  	_ =	strace s2  }
0x95: {  	s2 =	sld [smem:$0x3FFD];
	_ =	sdelay $0x3  }
0x96: {  	_ =	strace s2  }
0x97: {  	_ =	strace $0x8FFFFFFF  }
0x98: {  	s18 =	sld [smem:$0x3FDB];
	_ =	sdelay $0x1  }
0x99: {  	s19 =	simm.s32 $_scs_section_size  }
0x9a: {  	s4 =	simm.s32 $_size__tile_overlayer_lowered;
	s5 =	simm.s32 $_tile_overlayer_lowered  }
0x9b: {  	s22 =	simm.s32 $0x1BFF;
	s21 =	sshll.u32 s5, $0x1;
	s2 =	sadd.s32 s19, s18  }
0x9c: {  	s6 =	simm.s32 $0x0;
	s20 =	sshll.u32 s4, $0x1;
	s4 =	sadd.s32 s21, s2  }
0x9d: {  	[timem:s6], [sflag:s22] =	dma.local [hbm:s4], s20  }
0x9e: {  	_ =	swait.ge [sflag:s22], s20  }
0x9f: {  	s3 =	ssub.s32 $0x0, s20;
	[sflag:s22] =	ssyncset.done $0x0  }
0xa0: {  	[sflag:s22] =	ssyncadd.s32 s3;
	_ =	sdelay $0x1  }
0xa1: {  	s23 =	simm.s32 $0x1B8B  }
0xa2: {  	_ =	swait.ge [sflag:s23], $0x1  }
0xa3: {  	[sflag:s23] =	ssyncset.done $0x0  }
0xa4: {  	s25 =	simm.s32 $0x1B8E;
	s24 =	sld [smem:$0x3FFE];
	[sflag:s23] =	ssyncadd.s32 $0xFFFFFFFF  }
0xa5: {  	s26 =	simm.s32 $execute0_lowered;
	[smem:$0x3FD2] =	sst s25  }
0xa6: {  	s4 =	sshll.u32 s26, $0x1;
	_ =	strace $0x80000046;
	[dreg:$0x1] =	wrdreg $0xFFFFFFFF  }
0xa7: {  	s28 =	simm.s32 $_size_execute0_lowered;
	s2 =	sadd.s32 s2, s4;
	[dreg:$0x0] =	wrdreg $0x0  }
0xa8: {  	s4 =	sshll.u32 s28, $0x1;
	[dreg:$0x2] =	wrdreg s2  }
0xa9: {  	[dreg:$0x3] =	wrdreg s4  }
0xaa: {  	[dreg:$0x4] =	wrdreg $0xC0  }
0xab: {  	_ =	task [dreg:s6], $0x5FFFF  }
0xac: {  	[dreg:$0x1] =	wrdreg $0xFFFFFFFF  }
0xad: {  	[dreg:$0x0] =	wrdreg $0x60  }
0xae: {  	[dreg:$0x2] =	wrdreg s24  }
0xaf: {  	[dreg:$0x3] =	wrdreg $0x9  }
0xb0: {  	_ =	task.clear_ibuf [dreg:s6], $0x4FFFF;
	_ =	strace $0x90000046  }
0xb1: {  	s29 =	simm.s32 $0x9;
	_ =	strace $0x80000048  }
0xb2: {  	_ =	swait.ge [sflag:s29], $0x1  }
0xb3: {  	[sflag:s29] =	ssyncadd.s32 $0xFFFFFFFF  }
0xb4: {  	_ =	strace $0x90000048  }
0xb5: {  	_ =	sfence  }
0xb6: {  	s30 =	sld [smem:$0x0];
	_ =	sdelay $0x2  }
0xb7: {  	s31 =	sshll.u32 s1, $0xD;
	s1 =	sshrl.u32 s1, $0x2  }
0xb8: {  	s3 =	sand.u32 $0x4000, s31;
	s1 =	sadd.s32 s1, s30  }
0xb9: {  	s0 =	sor.u32 s3, s0;
	s1 =	sshll.u32 s1, $0x11  }
0xba: {  	s0 =	sor.u32 s1, s0  }
0xbb: {  	s0 =	sadd.s32 $0x8F2B, s0  }
0xbc: {  	[sflag:s0] =	ssyncadd.remote.s32 $0x1  }
0xbd: {  	_ =	sfence.sel $0xFFFF  }
0xbe: {  	[dreg:$0x0] =	wrdreg $0xFFFFFFFF;
	(pc) =	sbr.abs _section_cstart, $3  }
0xbf: {  	[dreg:$0x1] =	wrdreg $0xFFFFFFFF  }
0xc0: {  	_ =	task.clear_ibuf [dreg:s6], $0x2FFFF;
	_ =	strace $0x9FFFFFFF  }
0xc1: {  	(tm) =	ssettm $0x7FFFFFFF  }
tec
execute0_lowered:
.L_overlay_start_1:
0x0: {  	(tag) =	ssettag $0x1  }
0x1: {  	s5 =	rddreg [dreg:$0x0]  }
0x2: {  	s0 =	rddreg [dreg:$0x1];
	s3 =	srdreg.scid  }
0x3: {  	s1 =	stileid.u32;
	s2 =	simm.s32 $0x0;
	s13 =	simm.s32 $0x900  }
0x4: {  	s14 =	simm.s32 $0x1100;
	s15 =	simm.s32 $0x1900;
	s16 =	simm.s32 $0x2100  }
0x5: {  	s17 =	simm.s32 $0x2900;
	s18 =	simm.s32 $0x3100;
	s19 =	simm.s32 $0x3900  }
0x6: {  	s20 =	simm.s32 $0x4100;
	s21 =	simm.s32 $0x4900;
	s7 =	smul.u32 $0x4E20, s1  }
0x7: {  	s22 =	simm.s32 $0x50;
	s23 =	simm.s32 $0x5100;
	s9 =	smul.u32 $0x9C400, s1  }
0x8: {  	s24 =	simm.s32 $0x1;
	s6 =	sand.u32 $0x1, s3;
	s26 =	smul.u32 $0x4E200, s1  }
0x9: {  	s25 =	simm.s32 $0x2;
	[smem:$0x7FF] =	sst s2;
	s8 =	smul.u32 $0x2710, s6  }
0xa: {  	s3 =	sadd.s32 $0x41600, s5;
	s4 =	sadd.s32 $0x6800, s5;
	s11 =	smul.u32 $0x27100, s6  }
0xb: {  	_ =	strace $0x80000047;
	s10 =	ssub.s32 $0x2, s6;
	s6 =	smul.u32 $0x4E200, s6  }
0xc: {  	s28 =	sshrl.u32 s10, $0x1;
	s9 =	sadd.s32 s9, s5;
	s7 =	sadd.s32 s8, s7  }
0xd: {  	s8 =	sadd.s32 s26, s5;
	s29 =	ssub.s32 s10, s28;
	s31 =	sadd.s32 s6, s9  }
0xe: {  	s10 =	simm.s32 $0x3;
	s26 =	simm.s32 $0x0;
	s7 =	sshrl.u32 s7, $0x3  }
0xf: {  	v2 =	vlaneseq.u32;
	s30 =	sadd.s32 s11, s8;
	s11 =	simm.s32 $0x80;
	s12 =	sadd.s32 s7, s5  }
0x10: {  	vm0 =	vmmov $0xffff;
	v1 =	vshrl.u32 v2, $0x3;
	s5 =	smax.u32 s29, $0x1;
	s6 =	sadd.s32 $0xA53800, s30;
	s7 =	sadd.s32 $0x8F800, s31  }
0x11: {  	v0 =	vand.u32 $0x7, v2;
	v2 =	vor.u32 $0x8, v2;
	v1 =	vmul.u32 $0x8, v1;
	s8 =	sadd.s32 $0x2DA00, s12;
	s9 =	sadd.s32 $0x37800, s12;
	s12 =	simm.s32 $0x100  }
.LBB2_1:
0x12: {  	s28 =	smov.u32 s7;
	s29 =	smov.u32 s6;
	s30 =	simm.s32 $0x0  }
.LBB2_2:
0x13: {  	s31 =	sadd.s32 s30, s9  }
0x14: {  	[tilespmem:s2], [sflag:$0x3] =	stream.linear.gather [hbm4b:s31+s2], $0x50, $0x38;
	[tilespmem:$0x7900] =	vst v63  }
0x15: {  	_ =	swait.ge [sflag:s10], $0x50  }
0x16: {  	[sflag:s10] =	ssyncset.done $0x0  }
0x17: {  	s31 =	sadd.s32 s30, s8;
	[sflag:s10] =	ssyncadd.s32 $0xFFFFFFB0  }
0x18: {  	[tilespmem:s11], [sflag:$0x3] =	stream.linear.gather [hbm4b:s31+s2], $0x50, $0x38;
	[tilespmem:$0x7900] =	vst v63  }
0x19: {  	_ =	swait.ge [sflag:s10], $0x50  }
0x1a: {  	[sflag:s10] =	ssyncset.done $0x0  }
0x1b: {  	[sflag:s10] =	ssyncadd.s32 $0xFFFFFFB0  }
0x1c: {  	v3 =	vld [tilespmem:$0x0];
	_ =	sdelay $0x4  }
0x1d: {  	v4 =	vshll.u32 v3, $0x1  }
0x1e: {  	v3 =	vand.u32 $0x7, v3;
	v4 =	vand.u32 $0xFFFFFFF0, v4  }
0x1f: {  	v3 =	vor.u32 v3, v4  }
0x20: {  	v4 =	vperm.xlane v3, v0;
	_ =	sdelay $0x1  }
0x21: {  	v3 =	vperm.xlane v3, v2;
	v4 =	vadd.s32 v1, v4;
	_ =	sdelay $0x1  }
0x22: {  	v3 =	vadd.s32 v1, v3;
	_ =	sdelay $0x2  }
0x23: {  	[tilespmem:s12], [sflag:$0x1] =	stream.indirect_vreg.gather [hbm4b:s3+s2], $0x80, v4, vm0, $0xb8;
	[tilespmem:$0x7900] =	vst v63  }
0x24: {  	_ = 	snop  }
0x25: {  	[tilespmem:s13], [sflag:$0x1] =	stream.indirect_vreg.gather [hbm4b:s3+s2], $0x80, v3, vm0, $0xb8;
	[tilespmem:$0x7900] =	vst v63  }
0x26: {  	v3 =	vld [tilespmem:$0x10];
	_ =	sdelay $0x4  }
0x27: {  	v60 =	vshll.u32 v3, $0x1  }
0x28: {  	v3 =	vand.u32 $0x7, v3;
	v4 =	vand.u32 $0xFFFFFFF0, v60  }
0x29: {  	v3 =	vor.u32 v3, v4  }
0x2a: {  	v4 =	vperm.xlane v3, v0;
	_ =	sdelay $0x1  }
0x2b: {  	v3 =	vperm.xlane v3, v2;
	v4 =	vadd.s32 v1, v4;
	_ =	sdelay $0x1  }
0x2c: {  	v3 =	vadd.s32 v1, v3;
	_ =	sdelay $0x2  }
0x2d: {  	[tilespmem:s14], [sflag:$0x1] =	stream.indirect_vreg.gather [hbm4b:s3+s2], $0x80, v4, vm0, $0xb8;
	[tilespmem:$0x7900] =	vst v63  }
0x2e: {  	_ = 	snop  }
0x2f: {  	[tilespmem:s15], [sflag:$0x1] =	stream.indirect_vreg.gather [hbm4b:s3+s2], $0x80, v3, vm0, $0xb8;
	[tilespmem:$0x7900] =	vst v63  }
0x30: {  	v3 =	vld [tilespmem:$0x20];
	_ =	sdelay $0x4  }
0x31: {  	v61 =	vshll.u32 v3, $0x1  }
0x32: {  	v3 =	vand.u32 $0x7, v3;
	v4 =	vand.u32 $0xFFFFFFF0, v61  }
0x33: {  	v3 =	vor.u32 v3, v4  }
0x34: {  	v4 =	vperm.xlane v3, v0;
	_ =	sdelay $0x1  }
0x35: {  	v3 =	vperm.xlane v3, v2;
	v4 =	vadd.s32 v1, v4;
	_ =	sdelay $0x1  }
0x36: {  	v3 =	vadd.s32 v1, v3;
	_ =	sdelay $0x2  }
0x37: {  	[tilespmem:s16], [sflag:$0x1] =	stream.indirect_vreg.gather [hbm4b:s3+s2], $0x80, v4, vm0, $0xb8;
	[tilespmem:$0x7900] =	vst v63  }
0x38: {  	_ = 	snop  }
0x39: {  	[tilespmem:s17], [sflag:$0x1] =	stream.indirect_vreg.gather [hbm4b:s3+s2], $0x80, v3, vm0, $0xb8;
	[tilespmem:$0x7900] =	vst v63  }
0x3a: {  	v3 =	vld [tilespmem:$0x30];
	_ =	sdelay $0x4  }
0x3b: {  	v62 =	vshll.u32 v3, $0x1  }
0x3c: {  	v3 =	vand.u32 $0x7, v3;
	v4 =	vand.u32 $0xFFFFFFF0, v62  }
0x3d: {  	v3 =	vor.u32 v3, v4  }
0x3e: {  	v4 =	vperm.xlane v3, v0;
	_ =	sdelay $0x1  }
0x3f: {  	v3 =	vperm.xlane v3, v2;
	v4 =	vadd.s32 v1, v4;
	_ =	sdelay $0x1  }
0x40: {  	v3 =	vadd.s32 v1, v3;
	_ =	sdelay $0x2  }
0x41: {  	[tilespmem:s18], [sflag:$0x1] =	stream.indirect_vreg.gather [hbm4b:s3+s2], $0x80, v4, vm0, $0xb8;
	[tilespmem:$0x7900] =	vst v63  }
0x42: {  	_ = 	snop  }
0x43: {  	[tilespmem:s19], [sflag:$0x1] =	stream.indirect_vreg.gather [hbm4b:s3+s2], $0x80, v3, vm0, $0xb8;
	[tilespmem:$0x7900] =	vst v63  }
0x44: {  	v3 =	vld [tilespmem:$0x40];
	_ =	sdelay $0x4  }
0x45: {  	v63 =	vshll.u32 v3, $0x1  }
0x46: {  	v3 =	vand.u32 $0x7, v3;
	v4 =	vand.u32 $0xFFFFFFF0, v63  }
0x47: {  	v3 =	vor.u32 v3, v4  }
0x48: {  	v4 =	vperm.xlane v3, v0;
	_ =	sdelay $0x1  }
0x49: {  	v3 =	vperm.xlane v3, v2;
	v4 =	vadd.s32 v1, v4;
	_ =	sdelay $0x1  }
0x4a: {  	v3 =	vadd.s32 v1, v3;
	_ =	sdelay $0x2  }
0x4b: {  	[tilespmem:s20], [sflag:$0x1] =	stream.indirect_vreg.gather [hbm4b:s3+s2], $0x80, v4, vm0, $0xb8;
	[tilespmem:$0x7900] =	vst v63  }
0x4c: {  	_ = 	snop  }
0x4d: {  	[tilespmem:s21], [sflag:$0x1] =	stream.indirect_vreg.gather [hbm4b:s3+s2], $0x80, v3, vm0, $0xb8;
	[tilespmem:$0x7900] =	vst v63  }
0x4e: {  	_ = 	snop  }
0x4f: {  	[tilespmem:s23], [sflag:$0x2] =	stream.indirect.gather [hbm4b:s4+s22], $0x80, s11, s22, $0xb8;
	[tilespmem:$0x7900] =	vst v63  }
0x50: {  	_ =	swait.ge [sflag:s24], $0x5000  }
0x51: {  	[sflag:s24] =	ssyncset.done $0x0  }
0x52: {  	[sflag:s24] =	ssyncadd.s32 $0xFFFFB000  }
0x53: {  	_ =	swait.ge [sflag:s25], $0x2800  }
0x54: {  	[sflag:s25] =	ssyncset.done $0x0  }
0x55: {  	[sflag:s25] =	ssyncadd.s32 $0xFFFFD800  }
0x56: {  	[hbm4b:s28+s2] =	stream.linear.scatter [tilespmem:s12], [sflag:$0x3], $0x5000, $0x38;
	[tilespmem:$0x7900] =	vst v63  }
0x57: {  	_ =	swait.ge [sflag:s10], $0x5000  }
0x58: {  	p0 =	sne.s32 s30, $0x4D8;
	[sflag:s10] =	ssyncset.done $0x0  }
.Ltmp0:
0x59: {  	[sflag:s10] =	ssyncadd.s32 $0xFFFFB000;
	(pc) =	sbr.rel @p0 .LBB2_2-.Ltmp0, $4  }
0x5a: {  	[hbm4b:s29+s2] =	stream.linear.scatter [tilespmem:s23], [sflag:$0x3], $0x2800, $0x38;
	[tilespmem:$0x7900] =	vst v63  }
0x5b: {  	_ =	swait.ge [sflag:s10], $0x2800  }
0x5c: {  	s30 =	sadd.s32 $0xA, s30;
	[sflag:s10] =	ssyncset.done $0x0  }
0x5d: {  	s28 =	sadd.s32 $0xA00, s28;
	s29 =	sadd.s32 $0x500, s29;
	[sflag:s10] =	ssyncadd.s32 $0xFFFFD800  }
0x5e: {  	s26 =	sadd.s32 $0x1, s26  }
0x5f: {  	p0 =	sne.s32 s26, s5  }
.Ltmp1:
0x60: {  	_ = 	snop;
	(pc) =	sbr.rel @p0 .LBB2_1-.Ltmp1, $1  }
0x61: {  	_ =	sdelay $0x3  }
0x62: {  	_ =	sfence.sel $0x180000  }
0x63: {  	[bflag:$0x0] =	sbarrier.arrive $0xFFFF  }
0x64: {  	p0 =	sne.s32 s1, $0x0;
	_ =	strace $0x90000047  }
0x65: {  	s0 =	sadd.s32 @!p0 $0x100000, s0;
	[bflag:$0x2] =	sbarrier.arrive $0xFFFF  }
0x66: {  	[sflag:s0] =	ssyncadd.tile.s32 @!p0 $0x1;
	_ =	shalt  }
.Lfunc_end2:
_tile_overlayer_lowered:
.L_overlay_start_2:
0x67: {  	(tag) =	ssettag $0x2  }
0x68: {  	s0 =	rddreg [dreg:$0x0];
	s2 =	stileid.u32  }
0x69: {  	s1 =	rddreg [dreg:$0x1];
	p0 =	sne.s32 s2, $0x0  }
0x6a: {  	s3 =	rddreg [dreg:$0x2];
	[bflag:$0x3] =	sbarrier.arrive $0xFFFF;
	s2 =	simm.s32 @!p0 $0x1C03  }
0x6b: {  	[timem:s3], [sflag:s2] =	dma.local @!p0 [hbm:s0], s1  }
0x6c: {  	s0 =	simm.s32 @!p0 $0x3  }
0x6d: {  	_ =	swait.ge @!p0 [sflag:s0], s1  }
0x6e: {  	s1 =	ssub.s32 @!p0 $0x0, s1;
	[sflag:s0] =	ssyncset.done @!p0 $0x0  }
0x6f: {  	[sflag:s0] =	ssyncadd.s32 @!p0 s1  }
0x70: {  	[bflag:$0x3] =	sbarrier.arrive $0xFFFF  }
0x71: {  	_ =	shalt  }

</sc_bundles>
